<compile_context>
chip_gen: v7x
topology: tpu7x:2x2x1
jax: 0.10.2.dev20260603
libtpu: 0.0.44.dev20260713+nightly
codegen_flags: <defaults>
</compile_context>

<pallas_src>
import functools

import jax
import jax.numpy as jnp
from jax import lax
from jax.experimental import pallas as pl
from jax.experimental.pallas import tpu as pltpu
from jax.experimental.pallas import tpu_sc as plsc

N = 50000
E = 1600000
F = 32
NPAD = 51200
NPADR = NPAD - N
BLK = 128
KB = 2
NTILES = 32
EPAD = 1605632
EBLOCKS = EPAD // BLK
BPT = EBLOCKS // NTILES
OUTER = BPT // KB
PAIRS = OUTER // 2
RPT = NPAD // 16
RB = 2048
GRID = NPAD // RB


def _stats_body(xt_ref, w1_ref, b1_ref, o_ref):
    x0 = xt_ref[0:1, :]
    x1 = xt_ref[1:2, :]
    s0 = jnp.sum(x0)
    s1 = jnp.sum(x1)
    s00 = jnp.sum(x0 * x0)
    s11 = jnp.sum(x1 * x1)
    s01 = jnp.sum(x0 * x1)
    w0 = w1_ref[0:1, :]
    w1 = w1_ref[1:2, :]
    b1 = b1_ref[...]
    lin = w0 * s0 + w1 * s1
    sq = (w0 * w0 * s00 + w1 * w1 * s11 + 2.0 * w0 * w1 * s01
          + 2.0 * b1 * lin + N * b1 * b1)
    mu = (lin + N * b1) * (1.0 / N)
    o_ref[0:1, :] = mu
    o_ref[1:2, :] = sq * (1.0 / N) - mu * mu


def _dot1(a, b, dn=None):
    if dn is None:
        dn = (((a.ndim - 1,), (0,)), ((), ()))
    return lax.dot_general(a.astype(jnp.bfloat16), b.astype(jnp.bfloat16),
                           dimension_numbers=dn,
                           preferred_element_type=jnp.float32)


_DN_T = (((0,), (0,)), ((), ()))


def _dense_body(xt_ref, s_ref, w1_ref, b1_ref, g_ref, be_ref, pa_ref, w2_ref,
                b2_ref, wp_ref, bp_ref, wc_ref, bc_ref, wg_ref,
                a_ref, hh_ref, base_ref):
    i = pl.program_id(0)
    h = _dot1(xt_ref[...], w1_ref[...], _DN_T) + b1_ref[...]
    mu = s_ref[0:1, :]
    var = s_ref[1:2, :]
    h = (h - mu) / jnp.sqrt(var + 1e-5) * g_ref[...] + be_ref[...]
    pa = pa_ref[0, 0]
    h = jnp.where(h > 0, h, pa * h)
    h = _dot1(h, w2_ref[...]) + b2_ref[...]
    base = _dot1(h, wp_ref[...]) + bp_ref[0, 0]
    hc = _dot1(h, wc_ref[...]) + bc_ref[...]
    q = _dot1(hc, wg_ref[...])
    n2 = jnp.sum(h * h, axis=1, keepdims=True)
    nrm = jnp.sqrt(n2)
    inv = jnp.where(nrm > 0.0, 1.0 / nrm, 0.0)
    hh = h * inv
    rid = lax.broadcasted_iota(jnp.int32, (RB, 1), 0) + i * RB
    a_ref[...] = jnp.where(rid < N, hh * q, 0.0)
    hh_ref[...] = hh
    base_ref[...] = base


def _comb_body(hh_ref, m0_ref, m1_ref, base_ref, bg_ref, o_ref):
    s = m0_ref[...] + m1_ref[...]
    t = jnp.sum(hh_ref[...] * s, axis=1, keepdims=True)
    v = base_ref[...] + t + bg_ref[0, 0]
    o_ref[...] = v.reshape(RB // 128, 128)


def _edge_body(eidx_hbm, a_hbm, z_hbm, m0_hbm, m1_hbm,
               eidx, rows, m_sh, sem_i, sem_g, sem_a):
    c = lax.axis_index("c")
    s = lax.axis_index("s")
    wid = s * 2 + c
    r0 = s * RPT
    pltpu.sync_copy(z_hbm.at[pl.ds(r0, RPT)], m_sh.at[pl.ds(r0, RPT)])
    plsc.subcore_barrier()
    blk0 = wid * BPT

    def idx_fetch(t, buf):
        b = blk0 + t * KB
        pltpu.async_copy(eidx_hbm.at[pl.ds(b, KB)], eidx.at[buf], sem_i)

    def idx_wait(buf):
        pltpu.make_async_copy(eidx_hbm.at[pl.ds(0, KB)], eidx.at[buf],
                              sem_i).wait()

    def gathers(buf):
        for j in range(KB):
            pltpu.async_copy(a_hbm.at[eidx.at[buf, j, 0]],
                             rows.at[buf, pl.ds(j * BLK, BLK)], sem_g)

    def drain_rows(sem):
        pltpu.make_async_copy(z_hbm.at[pl.ds(0, KB * BLK)], rows.at[0],
                              sem).wait()

    def adds(buf):
        for j in range(KB):
            pltpu.async_copy(rows.at[buf, pl.ds(j * BLK, BLK)],
                             m_sh.at[eidx.at[buf, j, 1]], sem_a, add=True)

    def stage(t, buf):
        @pl.when(t > 0)
        def _():
            drain_rows(sem_a)

        @pl.when(t + 1 < OUTER)
        def _():
            idx_fetch(t + 1, 1 - buf)

        drain_rows(sem_g)
        adds(buf)

        @pl.when(t + 1 < OUTER)
        def _():
            idx_wait(1 - buf)
            gathers(1 - buf)

    idx_fetch(0, 0)
    idx_wait(0)
    gathers(0)

    @pl.loop(0, PAIRS)
    def _(p):
        stage(2 * p, 0)
        stage(2 * p + 1, 1)

    drain_rows(sem_a)
    plsc.subcore_barrier()

    @pl.when(c == 0)
    def _():
        pltpu.sync_copy(m_sh.at[pl.ds(r0, RPT)], m0_hbm.at[pl.ds(r0, RPT)])

    @pl.when(c == 1)
    def _():
        pltpu.sync_copy(m_sh.at[pl.ds(r0, RPT)], m1_hbm.at[pl.ds(r0, RPT)])


@functools.cache
def _make_edge_kernel():
    mesh = plsc.VectorSubcoreMesh(core_axis_name="c", subcore_axis_name="s")
    return pl.kernel(
        _edge_body,
        out_type=(jax.ShapeDtypeStruct((NPAD, F), jnp.float32),
                  jax.ShapeDtypeStruct((NPAD, F), jnp.float32)),
        mesh=mesh,
        scratch_types=[
            pltpu.VMEM((2, KB, 2, BLK), jnp.int32),
            pltpu.VMEM((2, KB * BLK, F), jnp.float32),
            pltpu.VMEM_SHARED((NPAD, F), jnp.float32),
            pltpu.SemaphoreType.DMA,
            pltpu.SemaphoreType.DMA,
            pltpu.SemaphoreType.DMA,
        ],
        compiler_params=pltpu.CompilerParams(use_tc_tiling_on_sc=False),
    )


def kernel(x, edge_index, W1, b1, bn_gamma, bn_beta, prelu_a, W2, b2,
           Wp, bp, Wc, bc, Wg, bg):
    f32 = jnp.float32
    b1r = b1.reshape(1, F)
    gr = bn_gamma.reshape(1, F)
    ber = bn_beta.reshape(1, F)
    b2r = b2.reshape(1, F)
    bcr = bc.reshape(1, F)
    par = jnp.asarray(prelu_a, f32).reshape(1, 1)
    bpr = bp.reshape(1, 1)
    bgr = bg.reshape(1, 1)

    xt = jnp.transpose(x)

    stats = pl.pallas_call(
        _stats_body,
        in_specs=[pl.BlockSpec((2, N), lambda: (0, 0)),
                  pl.BlockSpec((2, F), lambda: (0, 0)),
                  pl.BlockSpec((1, F), lambda: (0, 0))],
        out_specs=pl.BlockSpec((2, F), lambda: (0, 0)),
        out_shape=jax.ShapeDtypeStruct((2, F), f32),
    )(xt, W1, b1r)

    a_mat, hh, base = pl.pallas_call(
        _dense_body,
        grid=(GRID,),
        in_specs=[pl.BlockSpec((2, RB), lambda i: (0, i)),
                  pl.BlockSpec((2, F), lambda i: (0, 0)),
                  pl.BlockSpec((2, F), lambda i: (0, 0)),
                  pl.BlockSpec((1, F), lambda i: (0, 0)),
                  pl.BlockSpec((1, F), lambda i: (0, 0)),
                  pl.BlockSpec((1, F), lambda i: (0, 0)),
                  pl.BlockSpec((1, 1), lambda i: (0, 0)),
                  pl.BlockSpec((F, F), lambda i: (0, 0)),
                  pl.BlockSpec((1, F), lambda i: (0, 0)),
                  pl.BlockSpec((F, 1), lambda i: (0, 0)),
                  pl.BlockSpec((1, 1), lambda i: (0, 0)),
                  pl.BlockSpec((F, F), lambda i: (0, 0)),
                  pl.BlockSpec((1, F), lambda i: (0, 0)),
                  pl.BlockSpec((F, 1), lambda i: (0, 0))],
        out_specs=[pl.BlockSpec((RB, F), lambda i: (i, 0)),
                   pl.BlockSpec((RB, F), lambda i: (i, 0)),
                   pl.BlockSpec((RB, 1), lambda i: (i, 0))],
        out_shape=[jax.ShapeDtypeStruct((NPAD, F), f32),
                   jax.ShapeDtypeStruct((NPAD, F), f32),
                   jax.ShapeDtypeStruct((NPAD, 1), f32)],
    )(xt, stats, W1, b1r, gr, ber, par, W2, b2r, Wp, bpr, Wc, bcr, Wg)

    pad_idx = N + (jnp.arange(EPAD - E, dtype=jnp.int32) % NPADR)
    pad2 = jnp.stack([pad_idx, pad_idx])
    eib = jnp.concatenate([edge_index, pad2], axis=1)
    eib = eib.reshape(2, EBLOCKS, BLK).swapaxes(0, 1)
    zeros = jnp.zeros((NPAD, F), f32)

    m0, m1 = _make_edge_kernel()(eib, a_mat, zeros)

    out2d = pl.pallas_call(
        _comb_body,
        grid=(GRID,),
        in_specs=[pl.BlockSpec((RB, F), lambda i: (i, 0)),
                  pl.BlockSpec((RB, F), lambda i: (i, 0)),
                  pl.BlockSpec((RB, F), lambda i: (i, 0)),
                  pl.BlockSpec((RB, 1), lambda i: (i, 0)),
                  pl.BlockSpec((1, 1), lambda i: (0, 0))],
        out_specs=pl.BlockSpec((RB // 128, 128), lambda i: (i, 0)),
        out_shape=jax.ShapeDtypeStruct((NPAD // 128, 128), f32),
    )(hh, m0, m1, base, bgr)
    out1 = out2d.reshape(NPAD)
    return out1[:N]

# --- scband reference (transcript-rebuilt; emitter-appended) ---
"""Pipeline reference for scband-linear-body-20023137534016 (READ-ONLY COPY).

The authoritative reference and input builder live on the scoring server;
editing this copy changes nothing except your own understanding.
"""

import jax, jax.numpy as jnp
import numpy as np

N_NODES = 50000
N_EDGES = 1600000

def setup_inputs(seed: int = 0) -> dict:
    key = jax.random.key(seed)
    ks = jax.random.split(key, 16)
    x = jax.random.normal(ks[0], (N_NODES, 2), dtype=jnp.float32)
    edge_index = jax.random.randint(ks[1], (2, N_EDGES), 0, N_NODES, dtype=jnp.int32)
    # input_mlp params: Linear(2,32) -> BatchNorm1d(32) -> PReLU -> Linear(32,32)
    W1 = jax.random.normal(ks[2], (2, 32), dtype=jnp.float32) * 0.5
    b1 = jnp.zeros((32,), dtype=jnp.float32)
    bn_gamma = jnp.ones((32,), dtype=jnp.float32)
    bn_beta = jnp.zeros((32,), dtype=jnp.float32)
    prelu_a = jnp.asarray(0.25, dtype=jnp.float32)
    W2 = jax.random.normal(ks[3], (32, 32), dtype=jnp.float32) * 0.1
    b2 = jnp.zeros((32,), dtype=jnp.float32)
    # node_projection Linear(32,1)
    Wp = jax.random.normal(ks[4], (32, 1), dtype=jnp.float32) * 0.1
    bp = jnp.zeros((1,), dtype=jnp.float32)
    # CMCosConv(32,32): cosine-similarity weighted message passing with linear transform
    Wc = jax.random.normal(ks[5], (32, 32), dtype=jnp.float32) * 0.1
    bc = jnp.zeros((32,), dtype=jnp.float32)
    # gcn_projection_body Linear(32,1)
    Wg = jax.random.normal(ks[6], (32, 1), dtype=jnp.float32) * 0.1
    bg = jnp.zeros((1,), dtype=jnp.float32)
    return {"x": x, "edge_index": edge_index, "W1": W1, "b1": b1, "bn_gamma": bn_gamma,
            "bn_beta": bn_beta, "prelu_a": prelu_a, "W2": W2, "b2": b2, "Wp": Wp,
            "bp": bp, "Wc": Wc, "bc": bc, "Wg": Wg, "bg": bg}

def reference(x, edge_index, W1, b1, bn_gamma, bn_beta, prelu_a, W2, b2, Wp, bp, Wc, bc, Wg, bg):
    n = x.shape[0]
    # input_mlp
    h = x @ W1 + b1
    mu = jnp.mean(h, axis=0)
    var = jnp.var(h, axis=0)
    h = (h - mu) / jnp.sqrt(var + 1e-5) * bn_gamma + bn_beta
    h = jnp.where(h > 0, h, prelu_a * h)  # PReLU (dropout p=0 is identity)
    h = h @ W2 + b2
    # node_projection
    nodes_scores = (h @ Wp + bp).squeeze(-1)
    # CMCosConv: cosine-weighted message passing, sum-aggregated at dst
    src = edge_index[0]
    dst = edge_index[1]
    xs = h[src]
    xd = h[dst]
    cos = jnp.sum(xs * xd, axis=-1) / (jnp.linalg.norm(xs, axis=-1) * jnp.linalg.norm(xd, axis=-1) + 1e-8)
    msg = cos[:, None] * (xs @ Wc + bc)
    agg = jax.ops.segment_sum(msg, dst, num_segments=n)
    gcn_scores_body = (agg @ Wg + bg).squeeze(-1)
    return nodes_scores + gcn_scores_body

if __name__ == "__main__":
    import jax
    _d = setup_inputs()
    print(jax.jit(kernel)(*tuple(_d.values())))

</pallas_src>

<mosaic_0001>
#map = affine_map<(d0, d1) -> (0, 0, 0)>
#map1 = affine_map<(d0, d1) -> (0, 0)>
module attributes {stable_mosaic.version = 14 : i64} {
  func.func @_edge_body(%arg0: i32, %arg1: i32, %arg2: memref<12544x2x128xi32, #tpu.memory_space<hbm>>, %arg3: memref<51200x32xf32, #tpu.memory_space<hbm>>, %arg4: memref<51200x32xf32, #tpu.memory_space<hbm>>, %arg5: memref<51200x32xf32, #tpu.memory_space<hbm>>, %arg6: memref<51200x32xf32, #tpu.memory_space<hbm>>, %arg7: memref<2x2x2x128xi32, #tpu.memory_space<vmem>>, %arg8: memref<2x256x32xf32, #tpu.memory_space<vmem>>, %arg9: memref<51200x32xf32, #tpu.memory_space<vmem_shared>>, %arg10: memref<!tpu.dma_semaphore, #tpu.memory_space<semaphore_mem>>, %arg11: memref<!tpu.dma_semaphore, #tpu.memory_space<semaphore_mem>>, %arg12: memref<!tpu.dma_semaphore, #tpu.memory_space<semaphore_mem>>) attributes {dimension_semantics = [#tpu.dimension_semantics<core_parallel>, #tpu.dimension_semantics<subcore_parallel>], iteration_bounds = array<i64: 2, 16>, scalar_prefetch = 0 : i64, scratch_operands = 6 : i64, tpu.core_type = #tpu.core_type<sc_vector_subcore>, window_params = [{transform_indices = #map}, {transform_indices = #map1}, {transform_indices = #map1}, {transform_indices = #map1}, {transform_indices = #map1}]} {
    %mul3A = arith.constant 2 : i32
    %mul3A_0 = arith.muli %arg1, %mul3A : i32
    %add3A = arith.addi %mul3A_0, %arg0 : i32
    %mul3A_1 = arith.constant 3200 : i32
    %mul3A_2 = arith.muli %arg1, %mul3A_1 : i32
    "tpu.region"() ({
      %run_scoped3A = tpu.sem_alloc : memref<!tpu.dma_semaphore, #tpu.memory_space<semaphore_mem>>
      %dma_start3A_96 = arith.constant 0 : i32
      %dma_start3A_97 = tpu.memref_slice %arg9[%mul3A_2, %dma_start3A_96] : memref<51200x32xf32, #tpu.memory_space<vmem_shared>> -> memref<3200x32xf32, #tpu.memory_space<vmem_shared>>
      %dma_start3A_98 = arith.constant 0 : i32
      %dma_start3A_99 = tpu.memref_slice %arg4[%mul3A_2, %dma_start3A_98] : memref<51200x32xf32, #tpu.memory_space<hbm>> -> memref<3200x32xf32, #tpu.memory_space<hbm>>
      tpu.enqueue_dma source(%dma_start3A_99 : memref<3200x32xf32, #tpu.memory_space<hbm>>) target(%dma_start3A_97 : memref<3200x32xf32, #tpu.memory_space<vmem_shared>>) target_semaphore(%run_scoped3A : memref<!tpu.dma_semaphore, #tpu.memory_space<semaphore_mem>>)
      %dma_wait3A_100 = arith.constant 0 : i32
      %dma_wait3A_101 = tpu.memref_slice %arg9[%mul3A_2, %dma_wait3A_100] : memref<51200x32xf32, #tpu.memory_space<vmem_shared>> -> memref<3200x32xf32, #tpu.memory_space<vmem_shared>>
      %dma_wait3A_102 = arith.constant 0 : i32
      %dma_wait3A_103 = tpu.memref_slice %arg4[%mul3A_2, %dma_wait3A_102] : memref<51200x32xf32, #tpu.memory_space<hbm>> -> memref<3200x32xf32, #tpu.memory_space<hbm>>
      tpu.wait_dma2 semaphore(%run_scoped3A : memref<!tpu.dma_semaphore, #tpu.memory_space<semaphore_mem>>) src(%dma_wait3A_103 : memref<3200x32xf32, #tpu.memory_space<hbm>>) dst(%dma_wait3A_101 : memref<3200x32xf32, #tpu.memory_space<vmem_shared>>)
      tpu.yield
    }) : () -> ()
    %barrier3A = arith.constant 0 : index
    tpu.barrier barrier_id(%barrier3A)
    %mul3A_3 = arith.constant 392 : i32
    %mul3A_4 = arith.muli %add3A, %mul3A_3 : i32
    %add3A_5 = arith.constant 0 : i32
    %add3A_6 = arith.addi %mul3A_4, %add3A_5 : i32
    %dma_start3A = arith.constant 0 : i32
    %dma_start3A_7 = arith.constant 0 : i32
    %dma_start3A_8 = arith.constant 0 : i32
    %dma_start3A_9 = arith.constant 0 : i32
    %dma_start3A_10 = tpu.memref_slice %arg7[%dma_start3A, %dma_start3A_7, %dma_start3A_8, %dma_start3A_9] : memref<2x2x2x128xi32, #tpu.memory_space<vmem>> -> memref<1x2x2x128xi32, #tpu.memory_space<vmem>>
    %dma_start3A_11 = tpu.memref_squeeze %dma_start3A_10 : memref<1x2x2x128xi32, #tpu.memory_space<vmem>> -> memref<2x2x128xi32, #tpu.memory_space<vmem>>
    %dma_start3A_12 = arith.constant 0 : i32
    %dma_start3A_13 = arith.constant 0 : i32
    %dma_start3A_14 = tpu.memref_slice %arg2[%add3A_6, %dma_start3A_12, %dma_start3A_13] : memref<12544x2x128xi32, #tpu.memory_space<hbm>> -> memref<2x2x128xi32, #tpu.memory_space<hbm>>
    %dma_start3A_15 = arith.constant 0 : i32
    %dma_start3A_16 = arith.constant 0 : i32
    %dma_start3A_17 = arith.constant 0 : i32
    %dma_start3A_18 = tpu.memref_slice %arg7[%dma_start3A, %dma_start3A_15, %dma_start3A_16, %dma_start3A_17] : memref<2x2x2x128xi32, #tpu.memory_space<vmem>> -> memref<1x2x2x128xi32, #tpu.memory_space<vmem>>
    %dma_start3A_19 = tpu.memref_squeeze %dma_start3A_18 : memref<1x2x2x128xi32, #tpu.memory_space<vmem>> -> memref<2x2x128xi32, #tpu.memory_space<vmem>>
    %dma_start3A_20 = arith.constant 0 : i32
    %dma_start3A_21 = arith.constant 0 : i32
    %dma_start3A_22 = tpu.memref_slice %arg2[%add3A_6, %dma_start3A_20, %dma_start3A_21] : memref<12544x2x128xi32, #tpu.memory_space<hbm>> -> memref<2x2x128xi32, #tpu.memory_space<hbm>>
    tpu.enqueue_dma source(%dma_start3A_22 : memref<2x2x128xi32, #tpu.memory_space<hbm>>) target(%dma_start3A_19 : memref<2x2x128xi32, #tpu.memory_space<vmem>>) target_semaphore(%arg10 : memref<!tpu.dma_semaphore, #tpu.memory_space<semaphore_mem>>)
    %dma_wait3A = arith.constant 0 : i32
    %dma_wait3A_23 = arith.constant 0 : i32
    %dma_wait3A_24 = arith.constant 0 : i32
    %dma_wait3A_25 = arith.constant 0 : i32
    %dma_wait3A_26 = tpu.memref_slice %arg7[%dma_wait3A, %dma_wait3A_23, %dma_wait3A_24, %dma_wait3A_25] : memref<2x2x2x128xi32, #tpu.memory_space<vmem>> -> memref<1x2x2x128xi32, #tpu.memory_space<vmem>>
    %dma_wait3A_27 = tpu.memref_squeeze %dma_wait3A_26 : memref<1x2x2x128xi32, #tpu.memory_space<vmem>> -> memref<2x2x128xi32, #tpu.memory_space<vmem>>
    %dma_wait3A_28 = arith.constant 0 : i32
    %dma_wait3A_29 = arith.constant 0 : i32
    %dma_wait3A_30 = arith.constant 0 : i32
    %dma_wait3A_31 = tpu.memref_slice %arg2[%dma_wait3A_28, %dma_wait3A_29, %dma_wait3A_30] : memref<12544x2x128xi32, #tpu.memory_space<hbm>> -> memref<2x2x128xi32, #tpu.memory_space<hbm>>
    %dma_wait3A_32 = arith.constant 0 : i32
    %dma_wait3A_33 = arith.constant 0 : i32
    %dma_wait3A_34 = arith.constant 0 : i32
    %dma_wait3A_35 = tpu.memref_slice %arg7[%dma_wait3A, %dma_wait3A_32, %dma_wait3A_33, %dma_wait3A_34] : memref<2x2x2x128xi32, #tpu.memory_space<vmem>> -> memref<1x2x2x128xi32, #tpu.memory_space<vmem>>
    %dma_wait3A_36 = tpu.memref_squeeze %dma_wait3A_35 : memref<1x2x2x128xi32, #tpu.memory_space<vmem>> -> memref<2x2x128xi32, #tpu.memory_space<vmem>>
    %dma_wait3A_37 = arith.constant 0 : i32
    %dma_wait3A_38 = arith.constant 0 : i32
    %dma_wait3A_39 = arith.constant 0 : i32
    %dma_wait3A_40 = tpu.memref_slice %arg2[%dma_wait3A_37, %dma_wait3A_38, %dma_wait3A_39] : memref<12544x2x128xi32, #tpu.memory_space<hbm>> -> memref<2x2x128xi32, #tpu.memory_space<hbm>>
    tpu.wait_dma2 semaphore(%arg10 : memref<!tpu.dma_semaphore, #tpu.memory_space<semaphore_mem>>) src(%dma_wait3A_40 : memref<2x2x128xi32, #tpu.memory_space<hbm>>) dst(%dma_wait3A_36 : memref<2x2x128xi32, #tpu.memory_space<vmem>>)
    %dma_start3A_41 = arith.constant 0 : i32
    %dma_start3A_42 = arith.constant 0 : i32
    %dma_start3A_43 = arith.constant 0 : i32
    %dma_start3A_44 = arith.constant 0 : i32
    %dma_start3A_45 = arith.constant 0 : i32
    %dma_start3A_46 = arith.constant 0 : i32
    %dma_start3A_47 = tpu.memref_slice %arg8[%dma_start3A_44, %dma_start3A_45, %dma_start3A_46] : memref<2x256x32xf32, #tpu.memory_space<vmem>> -> memref<1x128x32xf32, #tpu.memory_space<vmem>>
    %dma_start3A_48 = tpu.memref_squeeze %dma_start3A_47 : memref<1x128x32xf32, #tpu.memory_space<vmem>> -> memref<128x32xf32, #tpu.memory_space<vmem>>
    %dma_start3A_49 = arith.constant 0 : i32
    %dma_start3A_50 = tpu.memref_slice %arg7[%dma_start3A_41, %dma_start3A_42, %dma_start3A_43, %dma_start3A_49] : memref<2x2x2x128xi32, #tpu.memory_space<vmem>> -> memref<1x1x1x128xi32, #tpu.memory_space<vmem>>
    %dma_start3A_51 = tpu.memref_squeeze %dma_start3A_50 : memref<1x1x1x128xi32, #tpu.memory_space<vmem>> -> memref<128xi32, #tpu.memory_space<vmem>>
    %dma_start3A_52 = arith.constant 0 : i32
    %dma_start3A_53 = arith.constant 0 : i32
    %dma_start3A_54 = tpu.memref_slice %arg3[%dma_start3A_52, %dma_start3A_53] : memref<51200x32xf32, #tpu.memory_space<hbm>> -> memref<51200x32xf32, #tpu.memory_space<hbm>>
    tpu.enqueue_indirect_dma source(%dma_start3A_54 : memref<51200x32xf32, #tpu.memory_space<hbm>>) target(%dma_start3A_48 : memref<128x32xf32, #tpu.memory_space<vmem>>) offsets(%dma_start3A_51 : memref<128xi32, #tpu.memory_space<vmem>>) semaphore(%arg11 : memref<!tpu.dma_semaphore, #tpu.memory_space<semaphore_mem>>)
    %dma_start3A_55 = arith.constant 0 : i32
    %dma_start3A_56 = arith.constant 1 : i32
    %dma_start3A_57 = arith.constant 0 : i32
    %dma_start3A_58 = arith.constant 0 : i32
    %dma_start3A_59 = arith.constant 128 : i32
    %dma_start3A_60 = arith.constant 0 : i32
    %dma_start3A_61 = tpu.memref_slice %arg8[%dma_start3A_58, %dma_start3A_59, %dma_start3A_60] : memref<2x256x32xf32, #tpu.memory_space<vmem>> -> memref<1x128x32xf32, #tpu.memory_space<vmem>>
    %dma_start3A_62 = tpu.memref_squeeze %dma_start3A_61 : memref<1x128x32xf32, #tpu.memory_space<vmem>> -> memref<128x32xf32, #tpu.memory_space<vmem>>
    %dma_start3A_63 = arith.constant 0 : i32
    %dma_start3A_64 = tpu.memref_slice %arg7[%dma_start3A_55, %dma_start3A_56, %dma_start3A_57, %dma_start3A_63] : memref<2x2x2x128xi32, #tpu.memory_space<vmem>> -> memref<1x1x1x128xi32, #tpu.memory_space<vmem>>
    %dma_start3A_65 = tpu.memref_squeeze %dma_start3A_64 : memref<1x1x1x128xi32, #tpu.memory_space<vmem>> -> memref<128xi32, #tpu.memory_space<vmem>>
    %dma_start3A_66 = arith.constant 0 : i32
    %dma_start3A_67 = arith.constant 0 : i32
    %dma_start3A_68 = tpu.memref_slice %arg3[%dma_start3A_66, %dma_start3A_67] : memref<51200x32xf32, #tpu.memory_space<hbm>> -> memref<51200x32xf32, #tpu.memory_space<hbm>>
    tpu.enqueue_indirect_dma source(%dma_start3A_68 : memref<51200x32xf32, #tpu.memory_space<hbm>>) target(%dma_start3A_62 : memref<128x32xf32, #tpu.memory_space<vmem>>) offsets(%dma_start3A_65 : memref<128xi32, #tpu.memory_space<vmem>>) semaphore(%arg11 : memref<!tpu.dma_semaphore, #tpu.memory_space<semaphore_mem>>)
    %scan3A = arith.constant 0 : i32
    %scan3A_69 = arith.constant 98 : i32
    %scan3A_70 = arith.addi %scan3A, %scan3A_69 : i32
    %scan3A_71 = arith.constant 1 : i32
    scf.for %scan3A_96 = %scan3A to %scan3A_70 step %scan3A_71  : i32 {
      %mul3A_97 = arith.constant 1 : i32
      %mul3A_98 = arith.muli %scan3A_96, %mul3A_97 : i32
      %add3A_99 = arith.constant 0 : i32
      %add3A_100 = arith.addi %add3A_99, %mul3A_98 : i32
      %mul3A_101 = arith.constant 2 : i32
      %mul3A_102 = arith.muli %mul3A_101, %add3A_100 : i32
      %gt3A = arith.constant 0 : i32
      %gt3A_103 = arith.cmpi sgt, %mul3A_102, %gt3A : i32
      %convert_element_type3A_104 = arith.extui %gt3A_103 : i1 to i32
      %cond3A_105 = arith.constant 0 : i32
      %cond3A_106 = arith.cmpi ne, %convert_element_type3A_104, %cond3A_105 : i32
      scf.if %cond3A_106 {
        %dma_wait3A_229 = arith.constant 0 : i32
        %dma_wait3A_230 = arith.constant 0 : i32
        %dma_wait3A_231 = arith.constant 0 : i32
        %dma_wait3A_232 = tpu.memref_slice %arg8[%dma_wait3A_229, %dma_wait3A_230, %dma_wait3A_231] : memref<2x256x32xf32, #tpu.memory_space<vmem>> -> memref<1x256x32xf32, #tpu.memory_space<vmem>>
        %dma_wait3A_233 = tpu.memref_squeeze %dma_wait3A_232 : memref<1x256x32xf32, #tpu.memory_space<vmem>> -> memref<256x32xf32, #tpu.memory_space<vmem>>
        %dma_wait3A_234 = arith.constant 0 : i32
        %dma_wait3A_235 = arith.constant 0 : i32
        %dma_wait3A_236 = tpu.memref_slice %arg4[%dma_wait3A_234, %dma_wait3A_235] : memref<51200x32xf32, #tpu.memory_space<hbm>> -> memref<256x32xf32, #tpu.memory_space<hbm>>
        %dma_wait3A_237 = arith.constant 0 : i32
        %dma_wait3A_238 = arith.constant 0 : i32
        %dma_wait3A_239 = tpu.memref_slice %arg8[%dma_wait3A_229, %dma_wait3A_237, %dma_wait3A_238] : memref<2x256x32xf32, #tpu.memory_space<vmem>> -> memref<1x256x32xf32, #tpu.memory_space<vmem>>
        %dma_wait3A_240 = tpu.memref_squeeze %dma_wait3A_239 : memref<1x256x32xf32, #tpu.memory_space<vmem>> -> memref<256x32xf32, #tpu.memory_space<vmem>>
        %dma_wait3A_241 = arith.constant 0 : i32
        %dma_wait3A_242 = arith.constant 0 : i32
        %dma_wait3A_243 = tpu.memref_slice %arg4[%dma_wait3A_241, %dma_wait3A_242] : memref<51200x32xf32, #tpu.memory_space<hbm>> -> memref<256x32xf32, #tpu.memory_space<hbm>>
        tpu.wait_dma2 semaphore(%arg12 : memref<!tpu.dma_semaphore, #tpu.memory_space<semaphore_mem>>) src(%dma_wait3A_243 : memref<256x32xf32, #tpu.memory_space<hbm>>) dst(%dma_wait3A_240 : memref<256x32xf32, #tpu.memory_space<vmem>>)
      } else {
      }
      %add3A_107 = arith.constant 1 : i32
      %add3A_108 = arith.addi %mul3A_102, %add3A_107 : i32
      %lt3A = arith.constant 196 : i32
      %lt3A_109 = arith.cmpi slt, %add3A_108, %lt3A : i32
      %convert_element_type3A_110 = arith.extui %lt3A_109 : i1 to i32
      %cond3A_111 = arith.constant 0 : i32
      %cond3A_112 = arith.cmpi ne, %convert_element_type3A_110, %cond3A_111 : i32
      scf.if %cond3A_112 {
        %add3A_229 = arith.constant 1 : i32
        %add3A_230 = arith.addi %mul3A_102, %add3A_229 : i32
        %mul3A_231 = arith.constant 2 : i32
        %mul3A_232 = arith.muli %add3A_230, %mul3A_231 : i32
        %add3A_233 = arith.addi %mul3A_4, %mul3A_232 : i32
        %dma_start3A_234 = arith.constant 1 : i32
        %dma_start3A_235 = arith.constant 0 : i32
        %dma_start3A_236 = arith.constant 0 : i32
        %dma_start3A_237 = arith.constant 0 : i32
        %dma_start3A_238 = tpu.memref_slice %arg7[%dma_start3A_234, %dma_start3A_235, %dma_start3A_236, %dma_start3A_237] : memref<2x2x2x128xi32, #tpu.memory_space<vmem>> -> memref<1x2x2x128xi32, #tpu.memory_space<vmem>>
        %dma_start3A_239 = tpu.memref_squeeze %dma_start3A_238 : memref<1x2x2x128xi32, #tpu.memory_space<vmem>> -> memref<2x2x128xi32, #tpu.memory_space<vmem>>
        %dma_start3A_240 = arith.constant 0 : i32
        %dma_start3A_241 = arith.constant 0 : i32
        %dma_start3A_242 = tpu.memref_slice %arg2[%add3A_233, %dma_start3A_240, %dma_start3A_241] : memref<12544x2x128xi32, #tpu.memory_space<hbm>> -> memref<2x2x128xi32, #tpu.memory_space<hbm>>
        %dma_start3A_243 = arith.constant 0 : i32
        %dma_start3A_244 = arith.constant 0 : i32
        %dma_start3A_245 = arith.constant 0 : i32
        %dma_start3A_246 = tpu.memref_slice %arg7[%dma_start3A_234, %dma_start3A_243, %dma_start3A_244, %dma_start3A_245] : memref<2x2x2x128xi32, #tpu.memory_space<vmem>> -> memref<1x2x2x128xi32, #tpu.memory_space<vmem>>
        %dma_start3A_247 = tpu.memref_squeeze %dma_start3A_246 : memref<1x2x2x128xi32, #tpu.memory_space<vmem>> -> memref<2x2x128xi32, #tpu.memory_space<vmem>>
        %dma_start3A_248 = arith.constant 0 : i32
        %dma_start3A_249 = arith.constant 0 : i32
        %dma_start3A_250 = tpu.memref_slice %arg2[%add3A_233, %dma_start3A_248, %dma_start3A_249] : memref<12544x2x128xi32, #tpu.memory_space<hbm>> -> memref<2x2x128xi32, #tpu.memory_space<hbm>>
        tpu.enqueue_dma source(%dma_start3A_250 : memref<2x2x128xi32, #tpu.memory_space<hbm>>) target(%dma_start3A_247 : memref<2x2x128xi32, #tpu.memory_space<vmem>>) target_semaphore(%arg10 : memref<!tpu.dma_semaphore, #tpu.memory_space<semaphore_mem>>)
      } else {
      }
      %dma_wait3A_113 = arith.constant 0 : i32
      %dma_wait3A_114 = arith.constant 0 : i32
      %dma_wait3A_115 = arith.constant 0 : i32
      %dma_wait3A_116 = tpu.memref_slice %arg8[%dma_wait3A_113, %dma_wait3A_114, %dma_wait3A_115] : memref<2x256x32xf32, #tpu.memory_space<vmem>> -> memref<1x256x32xf32, #tpu.memory_space<vmem>>
      %dma_wait3A_117 = tpu.memref_squeeze %dma_wait3A_116 : memref<1x256x32xf32, #tpu.memory_space<vmem>> -> memref<256x32xf32, #tpu.memory_space<vmem>>
      %dma_wait3A_118 = arith.constant 0 : i32
      %dma_wait3A_119 = arith.constant 0 : i32
      %dma_wait3A_120 = tpu.memref_slice %arg4[%dma_wait3A_118, %dma_wait3A_119] : memref<51200x32xf32, #tpu.memory_space<hbm>> -> memref<256x32xf32, #tpu.memory_space<hbm>>
      %dma_wait3A_121 = arith.constant 0 : i32
      %dma_wait3A_122 = arith.constant 0 : i32
      %dma_wait3A_123 = tpu.memref_slice %arg8[%dma_wait3A_113, %dma_wait3A_121, %dma_wait3A_122] : memref<2x256x32xf32, #tpu.memory_space<vmem>> -> memref<1x256x32xf32, #tpu.memory_space<vmem>>
      %dma_wait3A_124 = tpu.memref_squeeze %dma_wait3A_123 : memref<1x256x32xf32, #tpu.memory_space<vmem>> -> memref<256x32xf32, #tpu.memory_space<vmem>>
      %dma_wait3A_125 = arith.constant 0 : i32
      %dma_wait3A_126 = arith.constant 0 : i32
      %dma_wait3A_127 = tpu.memref_slice %arg4[%dma_wait3A_125, %dma_wait3A_126] : memref<51200x32xf32, #tpu.memory_space<hbm>> -> memref<256x32xf32, #tpu.memory_space<hbm>>
      tpu.wait_dma2 semaphore(%arg11 : memref<!tpu.dma_semaphore, #tpu.memory_space<semaphore_mem>>) src(%dma_wait3A_127 : memref<256x32xf32, #tpu.memory_space<hbm>>) dst(%dma_wait3A_124 : memref<256x32xf32, #tpu.memory_space<vmem>>)
      %dma_start3A_128 = arith.constant 0 : i32
      %dma_start3A_129 = arith.constant 0 : i32
      %dma_start3A_130 = arith.constant 0 : i32
      %dma_start3A_131 = arith.constant 1 : i32
      %dma_start3A_132 = arith.constant 0 : i32
      %dma_start3A_133 = arith.constant 0 : i32
      %dma_start3A_134 = tpu.memref_slice %arg8[%dma_start3A_128, %dma_start3A_132, %dma_start3A_133] : memref<2x256x32xf32, #tpu.memory_space<vmem>> -> memref<1x128x32xf32, #tpu.memory_space<vmem>>
      %dma_start3A_135 = tpu.memref_squeeze %dma_start3A_134 : memref<1x128x32xf32, #tpu.memory_space<vmem>> -> memref<128x32xf32, #tpu.memory_space<vmem>>
      %dma_start3A_136 = arith.constant 0 : i32
      %dma_start3A_137 = tpu.memref_slice %arg7[%dma_start3A_129, %dma_start3A_130, %dma_start3A_131, %dma_start3A_136] : memref<2x2x2x128xi32, #tpu.memory_space<vmem>> -> memref<1x1x1x128xi32, #tpu.memory_space<vmem>>
      %dma_start3A_138 = tpu.memref_squeeze %dma_start3A_137 : memref<1x1x1x128xi32, #tpu.memory_space<vmem>> -> memref<128xi32, #tpu.memory_space<vmem>>
      %dma_start3A_139 = arith.constant 0 : i32
      %dma_start3A_140 = arith.constant 0 : i32
      %dma_start3A_141 = tpu.memref_slice %arg9[%dma_start3A_139, %dma_start3A_140] : memref<51200x32xf32, #tpu.memory_space<vmem_shared>> -> memref<51200x32xf32, #tpu.memory_space<vmem_shared>>
      tpu.enqueue_indirect_dma source(%dma_start3A_135 : memref<128x32xf32, #tpu.memory_space<vmem>>) target(%dma_start3A_141 : memref<51200x32xf32, #tpu.memory_space<vmem_shared>>) offsets(%dma_start3A_138 : memref<128xi32, #tpu.memory_space<vmem>>) semaphore(%arg12 : memref<!tpu.dma_semaphore, #tpu.memory_space<semaphore_mem>>) {add = true}
      %dma_start3A_142 = arith.constant 0 : i32
      %dma_start3A_143 = arith.constant 0 : i32
      %dma_start3A_144 = arith.constant 1 : i32
      %dma_start3A_145 = arith.constant 1 : i32
      %dma_start3A_146 = arith.constant 128 : i32
      %dma_start3A_147 = arith.constant 0 : i32
      %dma_start3A_148 = tpu.memref_slice %arg8[%dma_start3A_142, %dma_start3A_146, %dma_start3A_147] : memref<2x256x32xf32, #tpu.memory_space<vmem>> -> memref<1x128x32xf32, #tpu.memory_space<vmem>>
      %dma_start3A_149 = tpu.memref_squeeze %dma_start3A_148 : memref<1x128x32xf32, #tpu.memory_space<vmem>> -> memref<128x32xf32, #tpu.memory_space<vmem>>
      %dma_start3A_150 = arith.constant 0 : i32
      %dma_start3A_151 = tpu.memref_slice %arg7[%dma_start3A_143, %dma_start3A_144, %dma_start3A_145, %dma_start3A_150] : memref<2x2x2x128xi32, #tpu.memory_space<vmem>> -> memref<1x1x1x128xi32, #tpu.memory_space<vmem>>
      %dma_start3A_152 = tpu.memref_squeeze %dma_start3A_151 : memref<1x1x1x128xi32, #tpu.memory_space<vmem>> -> memref<128xi32, #tpu.memory_space<vmem>>
      %dma_start3A_153 = arith.constant 0 : i32
      %dma_start3A_154 = arith.constant 0 : i32
      %dma_start3A_155 = tpu.memref_slice %arg9[%dma_start3A_153, %dma_start3A_154] : memref<51200x32xf32, #tpu.memory_space<vmem_shared>> -> memref<51200x32xf32, #tpu.memory_space<vmem_shared>>
      tpu.enqueue_indirect_dma source(%dma_start3A_149 : memref<128x32xf32, #tpu.memory_space<vmem>>) target(%dma_start3A_155 : memref<51200x32xf32, #tpu.memory_space<vmem_shared>>) offsets(%dma_start3A_152 : memref<128xi32, #tpu.memory_space<vmem>>) semaphore(%arg12 : memref<!tpu.dma_semaphore, #tpu.memory_space<semaphore_mem>>) {add = true}
      %add3A_156 = arith.constant 1 : i32
      %add3A_157 = arith.addi %mul3A_102, %add3A_156 : i32
      %lt3A_158 = arith.constant 196 : i32
      %lt3A_159 = arith.cmpi slt, %add3A_157, %lt3A_158 : i32
      %convert_element_type3A_160 = arith.extui %lt3A_159 : i1 to i32
      %cond3A_161 = arith.constant 0 : i32
      %cond3A_162 = arith.cmpi ne, %convert_element_type3A_160, %cond3A_161 : i32
      scf.if %cond3A_162 {
        %dma_wait3A_229 = arith.constant 1 : i32
        %dma_wait3A_230 = arith.constant 0 : i32
        %dma_wait3A_231 = arith.constant 0 : i32
        %dma_wait3A_232 = arith.constant 0 : i32
        %dma_wait3A_233 = tpu.memref_slice %arg7[%dma_wait3A_229, %dma_wait3A_230, %dma_wait3A_231, %dma_wait3A_232] : memref<2x2x2x128xi32, #tpu.memory_space<vmem>> -> memref<1x2x2x128xi32, #tpu.memory_space<vmem>>
        %dma_wait3A_234 = tpu.memref_squeeze %dma_wait3A_233 : memref<1x2x2x128xi32, #tpu.memory_space<vmem>> -> memref<2x2x128xi32, #tpu.memory_space<vmem>>
        %dma_wait3A_235 = arith.constant 0 : i32
        %dma_wait3A_236 = arith.constant 0 : i32
        %dma_wait3A_237 = arith.constant 0 : i32
        %dma_wait3A_238 = tpu.memref_slice %arg2[%dma_wait3A_235, %dma_wait3A_236, %dma_wait3A_237] : memref<12544x2x128xi32, #tpu.memory_space<hbm>> -> memref<2x2x128xi32, #tpu.memory_space<hbm>>
        %dma_wait3A_239 = arith.constant 0 : i32
        %dma_wait3A_240 = arith.constant 0 : i32
        %dma_wait3A_241 = arith.constant 0 : i32
        %dma_wait3A_242 = tpu.memref_slice %arg7[%dma_wait3A_229, %dma_wait3A_239, %dma_wait3A_240, %dma_wait3A_241] : memref<2x2x2x128xi32, #tpu.memory_space<vmem>> -> memref<1x2x2x128xi32, #tpu.memory_space<vmem>>
        %dma_wait3A_243 = tpu.memref_squeeze %dma_wait3A_242 : memref<1x2x2x128xi32, #tpu.memory_space<vmem>> -> memref<2x2x128xi32, #tpu.memory_space<vmem>>
        %dma_wait3A_244 = arith.constant 0 : i32
        %dma_wait3A_245 = arith.constant 0 : i32
        %dma_wait3A_246 = arith.constant 0 : i32
        %dma_wait3A_247 = tpu.memref_slice %arg2[%dma_wait3A_244, %dma_wait3A_245, %dma_wait3A_246] : memref<12544x2x128xi32, #tpu.memory_space<hbm>> -> memref<2x2x128xi32, #tpu.memory_space<hbm>>
        tpu.wait_dma2 semaphore(%arg10 : memref<!tpu.dma_semaphore, #tpu.memory_space<semaphore_mem>>) src(%dma_wait3A_247 : memref<2x2x128xi32, #tpu.memory_space<hbm>>) dst(%dma_wait3A_243 : memref<2x2x128xi32, #tpu.memory_space<vmem>>)
        %dma_start3A_248 = arith.constant 1 : i32
        %dma_start3A_249 = arith.constant 0 : i32
        %dma_start3A_250 = arith.constant 0 : i32
        %dma_start3A_251 = arith.constant 1 : i32
        %dma_start3A_252 = arith.constant 0 : i32
        %dma_start3A_253 = arith.constant 0 : i32
        %dma_start3A_254 = tpu.memref_slice %arg8[%dma_start3A_251, %dma_start3A_252, %dma_start3A_253] : memref<2x256x32xf32, #tpu.memory_space<vmem>> -> memref<1x128x32xf32, #tpu.memory_space<vmem>>
        %dma_start3A_255 = tpu.memref_squeeze %dma_start3A_254 : memref<1x128x32xf32, #tpu.memory_space<vmem>> -> memref<128x32xf32, #tpu.memory_space<vmem>>
        %dma_start3A_256 = arith.constant 0 : i32
        %dma_start3A_257 = tpu.memref_slice %arg7[%dma_start3A_248, %dma_start3A_249, %dma_start3A_250, %dma_start3A_256] : memref<2x2x2x128xi32, #tpu.memory_space<vmem>> -> memref<1x1x1x128xi32, #tpu.memory_space<vmem>>
        %dma_start3A_258 = tpu.memref_squeeze %dma_start3A_257 : memref<1x1x1x128xi32, #tpu.memory_space<vmem>> -> memref<128xi32, #tpu.memory_space<vmem>>
        %dma_start3A_259 = arith.constant 0 : i32
        %dma_start3A_260 = arith.constant 0 : i32
        %dma_start3A_261 = tpu.memref_slice %arg3[%dma_start3A_259, %dma_start3A_260] : memref<51200x32xf32, #tpu.memory_space<hbm>> -> memref<51200x32xf32, #tpu.memory_space<hbm>>
        tpu.enqueue_indirect_dma source(%dma_start3A_261 : memref<51200x32xf32, #tpu.memory_space<hbm>>) target(%dma_start3A_255 : memref<128x32xf32, #tpu.memory_space<vmem>>) offsets(%dma_start3A_258 : memref<128xi32, #tpu.memory_space<vmem>>) semaphore(%arg11 : memref<!tpu.dma_semaphore, #tpu.memory_space<semaphore_mem>>)
        %dma_start3A_262 = arith.constant 1 : i32
        %dma_start3A_263 = arith.constant 1 : i32
        %dma_start3A_264 = arith.constant 0 : i32
        %dma_start3A_265 = arith.constant 1 : i32
        %dma_start3A_266 = arith.constant 128 : i32
        %dma_start3A_267 = arith.constant 0 : i32
        %dma_start3A_268 = tpu.memref_slice %arg8[%dma_start3A_265, %dma_start3A_266, %dma_start3A_267] : memref<2x256x32xf32, #tpu.memory_space<vmem>> -> memref<1x128x32xf32, #tpu.memory_space<vmem>>
        %dma_start3A_269 = tpu.memref_squeeze %dma_start3A_268 : memref<1x128x32xf32, #tpu.memory_space<vmem>> -> memref<128x32xf32, #tpu.memory_space<vmem>>
        %dma_start3A_270 = arith.constant 0 : i32
        %dma_start3A_271 = tpu.memref_slice %arg7[%dma_start3A_262, %dma_start3A_263, %dma_start3A_264, %dma_start3A_270] : memref<2x2x2x128xi32, #tpu.memory_space<vmem>> -> memref<1x1x1x128xi32, #tpu.memory_space<vmem>>
        %dma_start3A_272 = tpu.memref_squeeze %dma_start3A_271 : memref<1x1x1x128xi32, #tpu.memory_space<vmem>> -> memref<128xi32, #tpu.memory_space<vmem>>
        %dma_start3A_273 = arith.constant 0 : i32
        %dma_start3A_274 = arith.constant 0 : i32
        %dma_start3A_275 = tpu.memref_slice %arg3[%dma_start3A_273, %dma_start3A_274] : memref<51200x32xf32, #tpu.memory_space<hbm>> -> memref<51200x32xf32, #tpu.memory_space<hbm>>
        tpu.enqueue_indirect_dma source(%dma_start3A_275 : memref<51200x32xf32, #tpu.memory_space<hbm>>) target(%dma_start3A_269 : memref<128x32xf32, #tpu.memory_space<vmem>>) offsets(%dma_start3A_272 : memref<128xi32, #tpu.memory_space<vmem>>) semaphore(%arg11 : memref<!tpu.dma_semaphore, #tpu.memory_space<semaphore_mem>>)
      } else {
      }
      %mul3A_163 = arith.constant 2 : i32
      %mul3A_164 = arith.muli %mul3A_163, %add3A_100 : i32
      %add3A_165 = arith.constant 1 : i32
      %add3A_166 = arith.addi %mul3A_164, %add3A_165 : i32
      %gt3A_167 = arith.constant 0 : i32
      %gt3A_168 = arith.cmpi sgt, %add3A_166, %gt3A_167 : i32
      %convert_element_type3A_169 = arith.extui %gt3A_168 : i1 to i32
      %cond3A_170 = arith.constant 0 : i32
      %cond3A_171 = arith.cmpi ne, %convert_element_type3A_169, %cond3A_170 : i32
      scf.if %cond3A_171 {
        %dma_wait3A_229 = arith.constant 0 : i32
        %dma_wait3A_230 = arith.constant 0 : i32
        %dma_wait3A_231 = arith.constant 0 : i32
        %dma_wait3A_232 = tpu.memref_slice %arg8[%dma_wait3A_229, %dma_wait3A_230, %dma_wait3A_231] : memref<2x256x32xf32, #tpu.memory_space<vmem>> -> memref<1x256x32xf32, #tpu.memory_space<vmem>>
        %dma_wait3A_233 = tpu.memref_squeeze %dma_wait3A_232 : memref<1x256x32xf32, #tpu.memory_space<vmem>> -> memref<256x32xf32, #tpu.memory_space<vmem>>
        %dma_wait3A_234 = arith.constant 0 : i32
        %dma_wait3A_235 = arith.constant 0 : i32
        %dma_wait3A_236 = tpu.memref_slice %arg4[%dma_wait3A_234, %dma_wait3A_235] : memref<51200x32xf32, #tpu.memory_space<hbm>> -> memref<256x32xf32, #tpu.memory_space<hbm>>
        %dma_wait3A_237 = arith.constant 0 : i32
        %dma_wait3A_238 = arith.constant 0 : i32
        %dma_wait3A_239 = tpu.memref_slice %arg8[%dma_wait3A_229, %dma_wait3A_237, %dma_wait3A_238] : memref<2x256x32xf32, #tpu.memory_space<vmem>> -> memref<1x256x32xf32, #tpu.memory_space<vmem>>
        %dma_wait3A_240 = tpu.memref_squeeze %dma_wait3A_239 : memref<1x256x32xf32, #tpu.memory_space<vmem>> -> memref<256x32xf32, #tpu.memory_space<vmem>>
        %dma_wait3A_241 = arith.constant 0 : i32
        %dma_wait3A_242 = arith.constant 0 : i32
        %dma_wait3A_243 = tpu.memref_slice %arg4[%dma_wait3A_241, %dma_wait3A_242] : memref<51200x32xf32, #tpu.memory_space<hbm>> -> memref<256x32xf32, #tpu.memory_space<hbm>>
        tpu.wait_dma2 semaphore(%arg12 : memref<!tpu.dma_semaphore, #tpu.memory_space<semaphore_mem>>) src(%dma_wait3A_243 : memref<256x32xf32, #tpu.memory_space<hbm>>) dst(%dma_wait3A_240 : memref<256x32xf32, #tpu.memory_space<vmem>>)
      } else {
      }
      %add3A_172 = arith.constant 1 : i32
      %add3A_173 = arith.addi %add3A_166, %add3A_172 : i32
      %lt3A_174 = arith.constant 196 : i32
      %lt3A_175 = arith.cmpi slt, %add3A_173, %lt3A_174 : i32
      %convert_element_type3A_176 = arith.extui %lt3A_175 : i1 to i32
      %cond3A_177 = arith.constant 0 : i32
      %cond3A_178 = arith.cmpi ne, %convert_element_type3A_176, %cond3A_177 : i32
      scf.if %cond3A_178 {
        %add3A_229 = arith.constant 1 : i32
        %add3A_230 = arith.addi %add3A_166, %add3A_229 : i32
        %mul3A_231 = arith.constant 2 : i32
        %mul3A_232 = arith.muli %add3A_230, %mul3A_231 : i32
        %add3A_233 = arith.addi %mul3A_4, %mul3A_232 : i32
        %dma_start3A_234 = arith.constant 0 : i32
        %dma_start3A_235 = arith.constant 0 : i32
        %dma_start3A_236 = arith.constant 0 : i32
        %dma_start3A_237 = arith.constant 0 : i32
        %dma_start3A_238 = tpu.memref_slice %arg7[%dma_start3A_234, %dma_start3A_235, %dma_start3A_236, %dma_start3A_237] : memref<2x2x2x128xi32, #tpu.memory_space<vmem>> -> memref<1x2x2x128xi32, #tpu.memory_space<vmem>>
        %dma_start3A_239 = tpu.memref_squeeze %dma_start3A_238 : memref<1x2x2x128xi32, #tpu.memory_space<vmem>> -> memref<2x2x128xi32, #tpu.memory_space<vmem>>
        %dma_start3A_240 = arith.constant 0 : i32
        %dma_start3A_241 = arith.constant 0 : i32
        %dma_start3A_242 = tpu.memref_slice %arg2[%add3A_233, %dma_start3A_240, %dma_start3A_241] : memref<12544x2x128xi32, #tpu.memory_space<hbm>> -> memref<2x2x128xi32, #tpu.memory_space<hbm>>
        %dma_start3A_243 = arith.constant 0 : i32
        %dma_start3A_244 = arith.constant 0 : i32
        %dma_start3A_245 = arith.constant 0 : i32
        %dma_start3A_246 = tpu.memref_slice %arg7[%dma_start3A_234, %dma_start3A_243, %dma_start3A_244, %dma_start3A_245] : memref<2x2x2x128xi32, #tpu.memory_space<vmem>> -> memref<1x2x2x128xi32, #tpu.memory_space<vmem>>
        %dma_start3A_247 = tpu.memref_squeeze %dma_start3A_246 : memref<1x2x2x128xi32, #tpu.memory_space<vmem>> -> memref<2x2x128xi32, #tpu.memory_space<vmem>>
        %dma_start3A_248 = arith.constant 0 : i32
        %dma_start3A_249 = arith.constant 0 : i32
        %dma_start3A_250 = tpu.memref_slice %arg2[%add3A_233, %dma_start3A_248, %dma_start3A_249] : memref<12544x2x128xi32, #tpu.memory_space<hbm>> -> memref<2x2x128xi32, #tpu.memory_space<hbm>>
        tpu.enqueue_dma source(%dma_start3A_250 : memref<2x2x128xi32, #tpu.memory_space<hbm>>) target(%dma_start3A_247 : memref<2x2x128xi32, #tpu.memory_space<vmem>>) target_semaphore(%arg10 : memref<!tpu.dma_semaphore, #tpu.memory_space<semaphore_mem>>)
      } else {
      }
      %dma_wait3A_179 = arith.constant 0 : i32
      %dma_wait3A_180 = arith.constant 0 : i32
      %dma_wait3A_181 = arith.constant 0 : i32
      %dma_wait3A_182 = tpu.memref_slice %arg8[%dma_wait3A_179, %dma_wait3A_180, %dma_wait3A_181] : memref<2x256x32xf32, #tpu.memory_space<vmem>> -> memref<1x256x32xf32, #tpu.memory_space<vmem>>
      %dma_wait3A_183 = tpu.memref_squeeze %dma_wait3A_182 : memref<1x256x32xf32, #tpu.memory_space<vmem>> -> memref<256x32xf32, #tpu.memory_space<vmem>>
      %dma_wait3A_184 = arith.constant 0 : i32
      %dma_wait3A_185 = arith.constant 0 : i32
      %dma_wait3A_186 = tpu.memref_slice %arg4[%dma_wait3A_184, %dma_wait3A_185] : memref<51200x32xf32, #tpu.memory_space<hbm>> -> memref<256x32xf32, #tpu.memory_space<hbm>>
      %dma_wait3A_187 = arith.constant 0 : i32
      %dma_wait3A_188 = arith.constant 0 : i32
      %dma_wait3A_189 = tpu.memref_slice %arg8[%dma_wait3A_179, %dma_wait3A_187, %dma_wait3A_188] : memref<2x256x32xf32, #tpu.memory_space<vmem>> -> memref<1x256x32xf32, #tpu.memory_space<vmem>>
      %dma_wait3A_190 = tpu.memref_squeeze %dma_wait3A_189 : memref<1x256x32xf32, #tpu.memory_space<vmem>> -> memref<256x32xf32, #tpu.memory_space<vmem>>
      %dma_wait3A_191 = arith.constant 0 : i32
      %dma_wait3A_192 = arith.constant 0 : i32
      %dma_wait3A_193 = tpu.memref_slice %arg4[%dma_wait3A_191, %dma_wait3A_192] : memref<51200x32xf32, #tpu.memory_space<hbm>> -> memref<256x32xf32, #tpu.memory_space<hbm>>
      tpu.wait_dma2 semaphore(%arg11 : memref<!tpu.dma_semaphore, #tpu.memory_space<semaphore_mem>>) src(%dma_wait3A_193 : memref<256x32xf32, #tpu.memory_space<hbm>>) dst(%dma_wait3A_190 : memref<256x32xf32, #tpu.memory_space<vmem>>)
      %dma_start3A_194 = arith.constant 1 : i32
      %dma_start3A_195 = arith.constant 1 : i32
      %dma_start3A_196 = arith.constant 0 : i32
      %dma_start3A_197 = arith.constant 1 : i32
      %dma_start3A_198 = arith.constant 0 : i32
      %dma_start3A_199 = arith.constant 0 : i32
      %dma_start3A_200 = tpu.memref_slice %arg8[%dma_start3A_194, %dma_start3A_198, %dma_start3A_199] : memref<2x256x32xf32, #tpu.memory_space<vmem>> -> memref<1x128x32xf32, #tpu.memory_space<vmem>>
      %dma_start3A_201 = tpu.memref_squeeze %dma_start3A_200 : memref<1x128x32xf32, #tpu.memory_space<vmem>> -> memref<128x32xf32, #tpu.memory_space<vmem>>
      %dma_start3A_202 = arith.constant 0 : i32
      %dma_start3A_203 = tpu.memref_slice %arg7[%dma_start3A_195, %dma_start3A_196, %dma_start3A_197, %dma_start3A_202] : memref<2x2x2x128xi32, #tpu.memory_space<vmem>> -> memref<1x1x1x128xi32, #tpu.memory_space<vmem>>
      %dma_start3A_204 = tpu.memref_squeeze %dma_start3A_203 : memref<1x1x1x128xi32, #tpu.memory_space<vmem>> -> memref<128xi32, #tpu.memory_space<vmem>>
      %dma_start3A_205 = arith.constant 0 : i32
      %dma_start3A_206 = arith.constant 0 : i32
      %dma_start3A_207 = tpu.memref_slice %arg9[%dma_start3A_205, %dma_start3A_206] : memref<51200x32xf32, #tpu.memory_space<vmem_shared>> -> memref<51200x32xf32, #tpu.memory_space<vmem_shared>>
      tpu.enqueue_indirect_dma source(%dma_start3A_201 : memref<128x32xf32, #tpu.memory_space<vmem>>) target(%dma_start3A_207 : memref<51200x32xf32, #tpu.memory_space<vmem_shared>>) offsets(%dma_start3A_204 : memref<128xi32, #tpu.memory_space<vmem>>) semaphore(%arg12 : memref<!tpu.dma_semaphore, #tpu.memory_space<semaphore_mem>>) {add = true}
      %dma_start3A_208 = arith.constant 1 : i32
      %dma_start3A_209 = arith.constant 1 : i32
      %dma_start3A_210 = arith.constant 1 : i32
      %dma_start3A_211 = arith.constant 1 : i32
      %dma_start3A_212 = arith.constant 128 : i32
      %dma_start3A_213 = arith.constant 0 : i32
      %dma_start3A_214 = tpu.memref_slice %arg8[%dma_start3A_208, %dma_start3A_212, %dma_start3A_213] : memref<2x256x32xf32, #tpu.memory_space<vmem>> -> memref<1x128x32xf32, #tpu.memory_space<vmem>>
      %dma_start3A_215 = tpu.memref_squeeze %dma_start3A_214 : memref<1x128x32xf32, #tpu.memory_space<vmem>> -> memref<128x32xf32, #tpu.memory_space<vmem>>
      %dma_start3A_216 = arith.constant 0 : i32
      %dma_start3A_217 = tpu.memref_slice %arg7[%dma_start3A_209, %dma_start3A_210, %dma_start3A_211, %dma_start3A_216] : memref<2x2x2x128xi32, #tpu.memory_space<vmem>> -> memref<1x1x1x128xi32, #tpu.memory_space<vmem>>
      %dma_start3A_218 = tpu.memref_squeeze %dma_start3A_217 : memref<1x1x1x128xi32, #tpu.memory_space<vmem>> -> memref<128xi32, #tpu.memory_space<vmem>>
      %dma_start3A_219 = arith.constant 0 : i32
      %dma_start3A_220 = arith.constant 0 : i32
      %dma_start3A_221 = tpu.memref_slice %arg9[%dma_start3A_219, %dma_start3A_220] : memref<51200x32xf32, #tpu.memory_space<vmem_shared>> -> memref<51200x32xf32, #tpu.memory_space<vmem_shared>>
      tpu.enqueue_indirect_dma source(%dma_start3A_215 : memref<128x32xf32, #tpu.memory_space<vmem>>) target(%dma_start3A_221 : memref<51200x32xf32, #tpu.memory_space<vmem_shared>>) offsets(%dma_start3A_218 : memref<128xi32, #tpu.memory_space<vmem>>) semaphore(%arg12 : memref<!tpu.dma_semaphore, #tpu.memory_space<semaphore_mem>>) {add = true}
      %add3A_222 = arith.constant 1 : i32
      %add3A_223 = arith.addi %add3A_166, %add3A_222 : i32
      %lt3A_224 = arith.constant 196 : i32
      %lt3A_225 = arith.cmpi slt, %add3A_223, %lt3A_224 : i32
      %convert_element_type3A_226 = arith.extui %lt3A_225 : i1 to i32
      %cond3A_227 = arith.constant 0 : i32
      %cond3A_228 = arith.cmpi ne, %convert_element_type3A_226, %cond3A_227 : i32
      scf.if %cond3A_228 {
        %dma_wait3A_229 = arith.constant 0 : i32
        %dma_wait3A_230 = arith.constant 0 : i32
        %dma_wait3A_231 = arith.constant 0 : i32
        %dma_wait3A_232 = arith.constant 0 : i32
        %dma_wait3A_233 = tpu.memref_slice %arg7[%dma_wait3A_229, %dma_wait3A_230, %dma_wait3A_231, %dma_wait3A_232] : memref<2x2x2x128xi32, #tpu.memory_space<vmem>> -> memref<1x2x2x128xi32, #tpu.memory_space<vmem>>
        %dma_wait3A_234 = tpu.memref_squeeze %dma_wait3A_233 : memref<1x2x2x128xi32, #tpu.memory_space<vmem>> -> memref<2x2x128xi32, #tpu.memory_space<vmem>>
        %dma_wait3A_235 = arith.constant 0 : i32
        %dma_wait3A_236 = arith.constant 0 : i32
        %dma_wait3A_237 = arith.constant 0 : i32
        %dma_wait3A_238 = tpu.memref_slice %arg2[%dma_wait3A_235, %dma_wait3A_236, %dma_wait3A_237] : memref<12544x2x128xi32, #tpu.memory_space<hbm>> -> memref<2x2x128xi32, #tpu.memory_space<hbm>>
        %dma_wait3A_239 = arith.constant 0 : i32
        %dma_wait3A_240 = arith.constant 0 : i32
        %dma_wait3A_241 = arith.constant 0 : i32
        %dma_wait3A_242 = tpu.memref_slice %arg7[%dma_wait3A_229, %dma_wait3A_239, %dma_wait3A_240, %dma_wait3A_241] : memref<2x2x2x128xi32, #tpu.memory_space<vmem>> -> memref<1x2x2x128xi32, #tpu.memory_space<vmem>>
        %dma_wait3A_243 = tpu.memref_squeeze %dma_wait3A_242 : memref<1x2x2x128xi32, #tpu.memory_space<vmem>> -> memref<2x2x128xi32, #tpu.memory_space<vmem>>
        %dma_wait3A_244 = arith.constant 0 : i32
        %dma_wait3A_245 = arith.constant 0 : i32
        %dma_wait3A_246 = arith.constant 0 : i32
        %dma_wait3A_247 = tpu.memref_slice %arg2[%dma_wait3A_244, %dma_wait3A_245, %dma_wait3A_246] : memref<12544x2x128xi32, #tpu.memory_space<hbm>> -> memref<2x2x128xi32, #tpu.memory_space<hbm>>
        tpu.wait_dma2 semaphore(%arg10 : memref<!tpu.dma_semaphore, #tpu.memory_space<semaphore_mem>>) src(%dma_wait3A_247 : memref<2x2x128xi32, #tpu.memory_space<hbm>>) dst(%dma_wait3A_243 : memref<2x2x128xi32, #tpu.memory_space<vmem>>)
        %dma_start3A_248 = arith.constant 0 : i32
        %dma_start3A_249 = arith.constant 0 : i32
        %dma_start3A_250 = arith.constant 0 : i32
        %dma_start3A_251 = arith.constant 0 : i32
        %dma_start3A_252 = arith.constant 0 : i32
        %dma_start3A_253 = arith.constant 0 : i32
        %dma_start3A_254 = tpu.memref_slice %arg8[%dma_start3A_251, %dma_start3A_252, %dma_start3A_253] : memref<2x256x32xf32, #tpu.memory_space<vmem>> -> memref<1x128x32xf32, #tpu.memory_space<vmem>>
        %dma_start3A_255 = tpu.memref_squeeze %dma_start3A_254 : memref<1x128x32xf32, #tpu.memory_space<vmem>> -> memref<128x32xf32, #tpu.memory_space<vmem>>
        %dma_start3A_256 = arith.constant 0 : i32
        %dma_start3A_257 = tpu.memref_slice %arg7[%dma_start3A_248, %dma_start3A_249, %dma_start3A_250, %dma_start3A_256] : memref<2x2x2x128xi32, #tpu.memory_space<vmem>> -> memref<1x1x1x128xi32, #tpu.memory_space<vmem>>
        %dma_start3A_258 = tpu.memref_squeeze %dma_start3A_257 : memref<1x1x1x128xi32, #tpu.memory_space<vmem>> -> memref<128xi32, #tpu.memory_space<vmem>>
        %dma_start3A_259 = arith.constant 0 : i32
        %dma_start3A_260 = arith.constant 0 : i32
        %dma_start3A_261 = tpu.memref_slice %arg3[%dma_start3A_259, %dma_start3A_260] : memref<51200x32xf32, #tpu.memory_space<hbm>> -> memref<51200x32xf32, #tpu.memory_space<hbm>>
        tpu.enqueue_indirect_dma source(%dma_start3A_261 : memref<51200x32xf32, #tpu.memory_space<hbm>>) target(%dma_start3A_255 : memref<128x32xf32, #tpu.memory_space<vmem>>) offsets(%dma_start3A_258 : memref<128xi32, #tpu.memory_space<vmem>>) semaphore(%arg11 : memref<!tpu.dma_semaphore, #tpu.memory_space<semaphore_mem>>)
        %dma_start3A_262 = arith.constant 0 : i32
        %dma_start3A_263 = arith.constant 1 : i32
        %dma_start3A_264 = arith.constant 0 : i32
        %dma_start3A_265 = arith.constant 0 : i32
        %dma_start3A_266 = arith.constant 128 : i32
        %dma_start3A_267 = arith.constant 0 : i32
        %dma_start3A_268 = tpu.memref_slice %arg8[%dma_start3A_265, %dma_start3A_266, %dma_start3A_267] : memref<2x256x32xf32, #tpu.memory_space<vmem>> -> memref<1x128x32xf32, #tpu.memory_space<vmem>>
        %dma_start3A_269 = tpu.memref_squeeze %dma_start3A_268 : memref<1x128x32xf32, #tpu.memory_space<vmem>> -> memref<128x32xf32, #tpu.memory_space<vmem>>
        %dma_start3A_270 = arith.constant 0 : i32
        %dma_start3A_271 = tpu.memref_slice %arg7[%dma_start3A_262, %dma_start3A_263, %dma_start3A_264, %dma_start3A_270] : memref<2x2x2x128xi32, #tpu.memory_space<vmem>> -> memref<1x1x1x128xi32, #tpu.memory_space<vmem>>
        %dma_start3A_272 = tpu.memref_squeeze %dma_start3A_271 : memref<1x1x1x128xi32, #tpu.memory_space<vmem>> -> memref<128xi32, #tpu.memory_space<vmem>>
        %dma_start3A_273 = arith.constant 0 : i32
        %dma_start3A_274 = arith.constant 0 : i32
        %dma_start3A_275 = tpu.memref_slice %arg3[%dma_start3A_273, %dma_start3A_274] : memref<51200x32xf32, #tpu.memory_space<hbm>> -> memref<51200x32xf32, #tpu.memory_space<hbm>>
        tpu.enqueue_indirect_dma source(%dma_start3A_275 : memref<51200x32xf32, #tpu.memory_space<hbm>>) target(%dma_start3A_269 : memref<128x32xf32, #tpu.memory_space<vmem>>) offsets(%dma_start3A_272 : memref<128xi32, #tpu.memory_space<vmem>>) semaphore(%arg11 : memref<!tpu.dma_semaphore, #tpu.memory_space<semaphore_mem>>)
      } else {
      }
    }
    %scan3A_72 = arith.constant 98 : i32
    %dma_wait3A_73 = arith.constant 0 : i32
    %dma_wait3A_74 = arith.constant 0 : i32
    %dma_wait3A_75 = arith.constant 0 : i32
    %dma_wait3A_76 = tpu.memref_slice %arg8[%dma_wait3A_73, %dma_wait3A_74, %dma_wait3A_75] : memref<2x256x32xf32, #tpu.memory_space<vmem>> -> memref<1x256x32xf32, #tpu.memory_space<vmem>>
    %dma_wait3A_77 = tpu.memref_squeeze %dma_wait3A_76 : memref<1x256x32xf32, #tpu.memory_space<vmem>> -> memref<256x32xf32, #tpu.memory_space<vmem>>
    %dma_wait3A_78 = arith.constant 0 : i32
    %dma_wait3A_79 = arith.constant 0 : i32
    %dma_wait3A_80 = tpu.memref_slice %arg4[%dma_wait3A_78, %dma_wait3A_79] : memref<51200x32xf32, #tpu.memory_space<hbm>> -> memref<256x32xf32, #tpu.memory_space<hbm>>
    %dma_wait3A_81 = arith.constant 0 : i32
    %dma_wait3A_82 = arith.constant 0 : i32
    %dma_wait3A_83 = tpu.memref_slice %arg8[%dma_wait3A_73, %dma_wait3A_81, %dma_wait3A_82] : memref<2x256x32xf32, #tpu.memory_space<vmem>> -> memref<1x256x32xf32, #tpu.memory_space<vmem>>
    %dma_wait3A_84 = tpu.memref_squeeze %dma_wait3A_83 : memref<1x256x32xf32, #tpu.memory_space<vmem>> -> memref<256x32xf32, #tpu.memory_space<vmem>>
    %dma_wait3A_85 = arith.constant 0 : i32
    %dma_wait3A_86 = arith.constant 0 : i32
    %dma_wait3A_87 = tpu.memref_slice %arg4[%dma_wait3A_85, %dma_wait3A_86] : memref<51200x32xf32, #tpu.memory_space<hbm>> -> memref<256x32xf32, #tpu.memory_space<hbm>>
    tpu.wait_dma2 semaphore(%arg12 : memref<!tpu.dma_semaphore, #tpu.memory_space<semaphore_mem>>) src(%dma_wait3A_87 : memref<256x32xf32, #tpu.memory_space<hbm>>) dst(%dma_wait3A_84 : memref<256x32xf32, #tpu.memory_space<vmem>>)
    %barrier3A_88 = arith.constant 0 : index
    tpu.barrier barrier_id(%barrier3A_88)
    %eq3A = arith.constant 0 : i32
    %eq3A_89 = arith.cmpi eq, %arg0, %eq3A : i32
    %convert_element_type3A = arith.extui %eq3A_89 : i1 to i32
    %cond3A = arith.constant 0 : i32
    %cond3A_90 = arith.cmpi ne, %convert_element_type3A, %cond3A : i32
    scf.if %cond3A_90 {
      "tpu.region"() ({
        %run_scoped3A = tpu.sem_alloc : memref<!tpu.dma_semaphore, #tpu.memory_space<semaphore_mem>>
        %dma_start3A_96 = arith.constant 0 : i32
        %dma_start3A_97 = tpu.memref_slice %arg5[%mul3A_2, %dma_start3A_96] : memref<51200x32xf32, #tpu.memory_space<hbm>> -> memref<3200x32xf32, #tpu.memory_space<hbm>>
        %dma_start3A_98 = arith.constant 0 : i32
        %dma_start3A_99 = tpu.memref_slice %arg9[%mul3A_2, %dma_start3A_98] : memref<51200x32xf32, #tpu.memory_space<vmem_shared>> -> memref<3200x32xf32, #tpu.memory_space<vmem_shared>>
        tpu.enqueue_dma source(%dma_start3A_99 : memref<3200x32xf32, #tpu.memory_space<vmem_shared>>) target(%dma_start3A_97 : memref<3200x32xf32, #tpu.memory_space<hbm>>) target_semaphore(%run_scoped3A : memref<!tpu.dma_semaphore, #tpu.memory_space<semaphore_mem>>)
        %dma_wait3A_100 = arith.constant 0 : i32
        %dma_wait3A_101 = tpu.memref_slice %arg5[%mul3A_2, %dma_wait3A_100] : memref<51200x32xf32, #tpu.memory_space<hbm>> -> memref<3200x32xf32, #tpu.memory_space<hbm>>
        %dma_wait3A_102 = arith.constant 0 : i32
        %dma_wait3A_103 = tpu.memref_slice %arg9[%mul3A_2, %dma_wait3A_102] : memref<51200x32xf32, #tpu.memory_space<vmem_shared>> -> memref<3200x32xf32, #tpu.memory_space<vmem_shared>>
        tpu.wait_dma2 semaphore(%run_scoped3A : memref<!tpu.dma_semaphore, #tpu.memory_space<semaphore_mem>>) src(%dma_wait3A_103 : memref<3200x32xf32, #tpu.memory_space<vmem_shared>>) dst(%dma_wait3A_101 : memref<3200x32xf32, #tpu.memory_space<hbm>>)
        tpu.yield
      }) : () -> ()
    } else {
    }
    %eq3A_91 = arith.constant 1 : i32
    %eq3A_92 = arith.cmpi eq, %arg0, %eq3A_91 : i32
    %convert_element_type3A_93 = arith.extui %eq3A_92 : i1 to i32
    %cond3A_94 = arith.constant 0 : i32
    %cond3A_95 = arith.cmpi ne, %convert_element_type3A_93, %cond3A_94 : i32
    scf.if %cond3A_95 {
      "tpu.region"() ({
        %run_scoped3A = tpu.sem_alloc : memref<!tpu.dma_semaphore, #tpu.memory_space<semaphore_mem>>
        %dma_start3A_96 = arith.constant 0 : i32
        %dma_start3A_97 = tpu.memref_slice %arg6[%mul3A_2, %dma_start3A_96] : memref<51200x32xf32, #tpu.memory_space<hbm>> -> memref<3200x32xf32, #tpu.memory_space<hbm>>
        %dma_start3A_98 = arith.constant 0 : i32
        %dma_start3A_99 = tpu.memref_slice %arg9[%mul3A_2, %dma_start3A_98] : memref<51200x32xf32, #tpu.memory_space<vmem_shared>> -> memref<3200x32xf32, #tpu.memory_space<vmem_shared>>
        tpu.enqueue_dma source(%dma_start3A_99 : memref<3200x32xf32, #tpu.memory_space<vmem_shared>>) target(%dma_start3A_97 : memref<3200x32xf32, #tpu.memory_space<hbm>>) target_semaphore(%run_scoped3A : memref<!tpu.dma_semaphore, #tpu.memory_space<semaphore_mem>>)
        %dma_wait3A_100 = arith.constant 0 : i32
        %dma_wait3A_101 = tpu.memref_slice %arg6[%mul3A_2, %dma_wait3A_100] : memref<51200x32xf32, #tpu.memory_space<hbm>> -> memref<3200x32xf32, #tpu.memory_space<hbm>>
        %dma_wait3A_102 = arith.constant 0 : i32
        %dma_wait3A_103 = tpu.memref_slice %arg9[%mul3A_2, %dma_wait3A_102] : memref<51200x32xf32, #tpu.memory_space<vmem_shared>> -> memref<3200x32xf32, #tpu.memory_space<vmem_shared>>
        tpu.wait_dma2 semaphore(%run_scoped3A : memref<!tpu.dma_semaphore, #tpu.memory_space<semaphore_mem>>) src(%dma_wait3A_103 : memref<3200x32xf32, #tpu.memory_space<vmem_shared>>) dst(%dma_wait3A_101 : memref<3200x32xf32, #tpu.memory_space<hbm>>)
        tpu.yield
      }) : () -> ()
    } else {
    }
    return
  }
}

module attributes {stable_mosaic.version = 14 : i64} {
  func.func @_stats_body(%arg0: memref<2x50000xf32, #tpu.memory_space<vmem>>, %arg1: memref<2x32xf32, #tpu.memory_space<vmem>>, %arg2: memref<1x32xf32, #tpu.memory_space<vmem>>, %arg3: memref<2x32xf32, #tpu.memory_space<vmem>>) attributes {dimension_semantics = [], scalar_prefetch = 0 : i64, scratch_operands = 0 : i64, tpu.core_type = #tpu.core_type<tc>} {
    %get3A = arith.constant 0 : index
    %get3A_0 = arith.constant 0 : index
    %get3A_1 = vector.load %arg0[%get3A, %get3A_0] : memref<2x50000xf32, #tpu.memory_space<vmem>>, vector<1x50000xf32>
    %get3A_2 = arith.constant 1 : index
    %get3A_3 = arith.constant 0 : index
    %get3A_4 = vector.load %arg0[%get3A_2, %get3A_3] : memref<2x50000xf32, #tpu.memory_space<vmem>>, vector<1x50000xf32>
    %reduce_sum3A = vector.shape_cast %get3A_1 : vector<1x50000xf32> to vector<1x1x50000xf32>
    %reduce_sum3A_5 = arith.constant dense<0.000000e+00> : vector<1xf32>
    %reduce_sum3A_6 = vector.multi_reduction <add>, %reduce_sum3A, %reduce_sum3A_5 [1, 2] : vector<1x1x50000xf32> to vector<1xf32>
    %reduce_sum3A_7 = vector.shape_cast %reduce_sum3A_6 : vector<1xf32> to vector<1x1x1xf32>
    %reduce_sum3A_8 = vector.extract %reduce_sum3A_7[0, 0, 0] : f32 from vector<1x1x1xf32>
    %reduce_sum3A_9 = vector.shape_cast %get3A_4 : vector<1x50000xf32> to vector<1x1x50000xf32>
    %reduce_sum3A_10 = arith.constant dense<0.000000e+00> : vector<1xf32>
    %reduce_sum3A_11 = vector.multi_reduction <add>, %reduce_sum3A_9, %reduce_sum3A_10 [1, 2] : vector<1x1x50000xf32> to vector<1xf32>
    %reduce_sum3A_12 = vector.shape_cast %reduce_sum3A_11 : vector<1xf32> to vector<1x1x1xf32>
    %reduce_sum3A_13 = vector.extract %reduce_sum3A_12[0, 0, 0] : f32 from vector<1x1x1xf32>
    %mul3A = arith.mulf %get3A_1, %get3A_1 : vector<1x50000xf32>
    %reduce_sum3A_14 = vector.shape_cast %mul3A : vector<1x50000xf32> to vector<1x1x50000xf32>
    %reduce_sum3A_15 = arith.constant dense<0.000000e+00> : vector<1xf32>
    %reduce_sum3A_16 = vector.multi_reduction <add>, %reduce_sum3A_14, %reduce_sum3A_15 [1, 2] : vector<1x1x50000xf32> to vector<1xf32>
    %reduce_sum3A_17 = vector.shape_cast %reduce_sum3A_16 : vector<1xf32> to vector<1x1x1xf32>
    %reduce_sum3A_18 = vector.extract %reduce_sum3A_17[0, 0, 0] : f32 from vector<1x1x1xf32>
    %mul3A_19 = arith.mulf %get3A_4, %get3A_4 : vector<1x50000xf32>
    %reduce_sum3A_20 = vector.shape_cast %mul3A_19 : vector<1x50000xf32> to vector<1x1x50000xf32>
    %reduce_sum3A_21 = arith.constant dense<0.000000e+00> : vector<1xf32>
    %reduce_sum3A_22 = vector.multi_reduction <add>, %reduce_sum3A_20, %reduce_sum3A_21 [1, 2] : vector<1x1x50000xf32> to vector<1xf32>
    %reduce_sum3A_23 = vector.shape_cast %reduce_sum3A_22 : vector<1xf32> to vector<1x1x1xf32>
    %reduce_sum3A_24 = vector.extract %reduce_sum3A_23[0, 0, 0] : f32 from vector<1x1x1xf32>
    %mul3A_25 = arith.mulf %get3A_1, %get3A_4 : vector<1x50000xf32>
    %reduce_sum3A_26 = vector.shape_cast %mul3A_25 : vector<1x50000xf32> to vector<1x1x50000xf32>
    %reduce_sum3A_27 = arith.constant dense<0.000000e+00> : vector<1xf32>
    %reduce_sum3A_28 = vector.multi_reduction <add>, %reduce_sum3A_26, %reduce_sum3A_27 [1, 2] : vector<1x1x50000xf32> to vector<1xf32>
    %reduce_sum3A_29 = vector.shape_cast %reduce_sum3A_28 : vector<1xf32> to vector<1x1x1xf32>
    %reduce_sum3A_30 = vector.extract %reduce_sum3A_29[0, 0, 0] : f32 from vector<1x1x1xf32>
    %get3A_31 = arith.constant 0 : index
    %get3A_32 = arith.constant 0 : index
    %get3A_33 = vector.load %arg1[%get3A_31, %get3A_32] : memref<2x32xf32, #tpu.memory_space<vmem>>, vector<1x32xf32>
    %get3A_34 = arith.constant 1 : index
    %get3A_35 = arith.constant 0 : index
    %get3A_36 = vector.load %arg1[%get3A_34, %get3A_35] : memref<2x32xf32, #tpu.memory_space<vmem>>, vector<1x32xf32>
    %get3A_37 = arith.constant 0 : index
    %get3A_38 = arith.constant 0 : index
    %get3A_39 = vector.load %arg2[%get3A_37, %get3A_38] : memref<1x32xf32, #tpu.memory_space<vmem>>, vector<1x32xf32>
    %mul3A_40 = vector.broadcast %reduce_sum3A_8 : f32 to vector<1x32xf32>
    %mul3A_41 = arith.mulf %get3A_33, %mul3A_40 : vector<1x32xf32>
    %mul3A_42 = vector.broadcast %reduce_sum3A_13 : f32 to vector<1x32xf32>
    %mul3A_43 = arith.mulf %get3A_36, %mul3A_42 : vector<1x32xf32>
    %add3A = arith.addf %mul3A_41, %mul3A_43 : vector<1x32xf32>
    %mul3A_44 = arith.mulf %get3A_33, %get3A_33 : vector<1x32xf32>
    %mul3A_45 = vector.broadcast %reduce_sum3A_18 : f32 to vector<1x32xf32>
    %mul3A_46 = arith.mulf %mul3A_44, %mul3A_45 : vector<1x32xf32>
    %mul3A_47 = arith.mulf %get3A_36, %get3A_36 : vector<1x32xf32>
    %mul3A_48 = vector.broadcast %reduce_sum3A_24 : f32 to vector<1x32xf32>
    %mul3A_49 = arith.mulf %mul3A_47, %mul3A_48 : vector<1x32xf32>
    %add3A_50 = arith.addf %mul3A_46, %mul3A_49 : vector<1x32xf32>
    %mul3A_51 = arith.constant 2.000000e+00 : f32
    %mul3A_52 = vector.broadcast %mul3A_51 : f32 to vector<1x32xf32>
    %mul3A_53 = arith.mulf %mul3A_52, %get3A_33 : vector<1x32xf32>
    %mul3A_54 = arith.mulf %mul3A_53, %get3A_36 : vector<1x32xf32>
    %mul3A_55 = vector.broadcast %reduce_sum3A_30 : f32 to vector<1x32xf32>
    %mul3A_56 = arith.mulf %mul3A_54, %mul3A_55 : vector<1x32xf32>
    %add3A_57 = arith.addf %add3A_50, %mul3A_56 : vector<1x32xf32>
    %mul3A_58 = arith.constant 2.000000e+00 : f32
    %mul3A_59 = vector.broadcast %mul3A_58 : f32 to vector<1x32xf32>
    %mul3A_60 = arith.mulf %mul3A_59, %get3A_39 : vector<1x32xf32>
    %mul3A_61 = arith.mulf %mul3A_60, %add3A : vector<1x32xf32>
    %add3A_62 = arith.addf %add3A_57, %mul3A_61 : vector<1x32xf32>
    %mul3A_63 = arith.constant 5.000000e+04 : f32
    %mul3A_64 = vector.broadcast %mul3A_63 : f32 to vector<1x32xf32>
    %mul3A_65 = arith.mulf %mul3A_64, %get3A_39 : vector<1x32xf32>
    %mul3A_66 = arith.mulf %mul3A_65, %get3A_39 : vector<1x32xf32>
    %add3A_67 = arith.addf %add3A_62, %mul3A_66 : vector<1x32xf32>
    %mul3A_68 = arith.constant 5.000000e+04 : f32
    %mul3A_69 = vector.broadcast %mul3A_68 : f32 to vector<1x32xf32>
    %mul3A_70 = arith.mulf %mul3A_69, %get3A_39 : vector<1x32xf32>
    %add3A_71 = arith.addf %add3A, %mul3A_70 : vector<1x32xf32>
    %mul3A_72 = arith.constant 2.000000e-05 : f32
    %mul3A_73 = vector.broadcast %mul3A_72 : f32 to vector<1x32xf32>
    %mul3A_74 = arith.mulf %add3A_71, %mul3A_73 : vector<1x32xf32>
    %swap3A = arith.constant 0 : index
    %swap3A_75 = arith.constant 0 : index
    %swap3A_76 = vector.load %arg3[%swap3A, %swap3A_75] : memref<2x32xf32, #tpu.memory_space<vmem>>, vector<1x32xf32>
    tpu.vector_store %arg3[%swap3A, %swap3A_75], %mul3A_74 {strides = array<i32>} : memref<2x32xf32, #tpu.memory_space<vmem>>, vector<1x32xf32>,
    %mul3A_77 = arith.constant 2.000000e-05 : f32
    %mul3A_78 = vector.broadcast %mul3A_77 : f32 to vector<1x32xf32>
    %mul3A_79 = arith.mulf %add3A_67, %mul3A_78 : vector<1x32xf32>
    %mul3A_80 = arith.mulf %mul3A_74, %mul3A_74 : vector<1x32xf32>
    %sub3A = arith.subf %mul3A_79, %mul3A_80 : vector<1x32xf32>
    %swap3A_81 = arith.constant 1 : index
    %swap3A_82 = arith.constant 0 : index
    %swap3A_83 = vector.load %arg3[%swap3A_81, %swap3A_82] : memref<2x32xf32, #tpu.memory_space<vmem>>, vector<1x32xf32>
    tpu.vector_store %arg3[%swap3A_81, %swap3A_82], %sub3A {strides = array<i32>} : memref<2x32xf32, #tpu.memory_space<vmem>>, vector<1x32xf32>,
    return
  }
}

module attributes {stable_mosaic.version = 14 : i64} {
  func.func @_dense_body(%arg0: i32, %arg1: memref<2x2048xf32, #tpu.memory_space<vmem>>, %arg2: memref<2x32xf32, #tpu.memory_space<vmem>>, %arg3: memref<2x32xf32, #tpu.memory_space<vmem>>, %arg4: memref<1x32xf32, #tpu.memory_space<vmem>>, %arg5: memref<1x32xf32, #tpu.memory_space<vmem>>, %arg6: memref<1x32xf32, #tpu.memory_space<vmem>>, %arg7: memref<1x1xf32, #tpu.memory_space<vmem>>, %arg8: memref<32x32xf32, #tpu.memory_space<vmem>>, %arg9: memref<1x32xf32, #tpu.memory_space<vmem>>, %arg10: memref<32x1xf32, #tpu.memory_space<vmem>>, %arg11: memref<1x1xf32, #tpu.memory_space<vmem>>, %arg12: memref<32x32xf32, #tpu.memory_space<vmem>>, %arg13: memref<1x32xf32, #tpu.memory_space<vmem>>, %arg14: memref<32x1xf32, #tpu.memory_space<vmem>>, %arg15: memref<2048x32xf32, #tpu.memory_space<vmem>>, %arg16: memref<2048x32xf32, #tpu.memory_space<vmem>>, %arg17: memref<2048x1xf32, #tpu.memory_space<vmem>>) attributes {dimension_semantics = [#tpu.dimension_semantics<arbitrary>], iteration_bounds = array<i64: 25>, scalar_prefetch = 0 : i64, scratch_operands = 0 : i64, tpu.core_type = #tpu.core_type<tc>, window_params = [{transform_indices = @transform_0, window_bounds = array<i64: 2, 2048>}, {pipeline_mode = #tpu.pipeline_mode<synchronous>, transform_indices = @transform_1, window_bounds = array<i64: 2, 32>}, {pipeline_mode = #tpu.pipeline_mode<synchronous>, transform_indices = @transform_2, window_bounds = array<i64: 2, 32>}, {pipeline_mode = #tpu.pipeline_mode<synchronous>, transform_indices = @transform_3, window_bounds = array<i64: 1, 32>}, {pipeline_mode = #tpu.pipeline_mode<synchronous>, transform_indices = @transform_4, window_bounds = array<i64: 1, 32>}, {pipeline_mode = #tpu.pipeline_mode<synchronous>, transform_indices = @transform_5, window_bounds = array<i64: 1, 32>}, {pipeline_mode = #tpu.pipeline_mode<synchronous>, transform_indices = @transform_6, window_bounds = array<i64: 1, 1>}, {pipeline_mode = #tpu.pipeline_mode<synchronous>, transform_indices = @transform_7, window_bounds = array<i64: 32, 32>}, {pipeline_mode = #tpu.pipeline_mode<synchronous>, transform_indices = @transform_8, window_bounds = array<i64: 1, 32>}, {pipeline_mode = #tpu.pipeline_mode<synchronous>, transform_indices = @transform_9, window_bounds = array<i64: 32, 1>}, {pipeline_mode = #tpu.pipeline_mode<synchronous>, transform_indices = @transform_10, window_bounds = array<i64: 1, 1>}, {pipeline_mode = #tpu.pipeline_mode<synchronous>, transform_indices = @transform_11, window_bounds = array<i64: 32, 32>}, {pipeline_mode = #tpu.pipeline_mode<synchronous>, transform_indices = @transform_12, window_bounds = array<i64: 1, 32>}, {pipeline_mode = #tpu.pipeline_mode<synchronous>, transform_indices = @transform_13, window_bounds = array<i64: 32, 1>}, {transform_indices = @transform_14, window_bounds = array<i64: 2048, 32>}, {transform_indices = @transform_15, window_bounds = array<i64: 2048, 32>}, {transform_indices = @transform_16, window_bounds = array<i64: 2048, 1>}]} {
    %get3A = arith.constant 0 : index
    %get3A_0 = arith.constant 0 : index
    %get3A_1 = vector.load %arg1[%get3A, %get3A_0] : memref<2x2048xf32, #tpu.memory_space<vmem>>, vector<2x2048xf32>
    %get3A_2 = arith.constant 0 : index
    %get3A_3 = arith.constant 0 : index
    %get3A_4 = vector.load %arg3[%get3A_2, %get3A_3] : memref<2x32xf32, #tpu.memory_space<vmem>>, vector<2x32xf32>
    %convert_element_type3A = arith.truncf %get3A_1 : vector<2x2048xf32> to vector<2x2048xbf16>
    %convert_element_type3A_5 = arith.truncf %get3A_4 : vector<2x32xf32> to vector<2x32xbf16>
    %dot_general3A = arith.constant dense<0.000000e+00> : vector<2048x32xf32>
    %dot_general3A_6 = tpu.matmul %convert_element_type3A, %convert_element_type3A_5, %dot_general3A {dimension_numbers = #tpu.dot_dimension_numbers<[0], [0], [1], [1], [0, 1, 1, 1], [], []>, transpose_lhs_hint = false} : vector<2x2048xbf16>, vector<2x32xbf16>, vector<2048x32xf32> -> vector<2048x32xf32>
    %get3A_7 = arith.constant 0 : index
    %get3A_8 = arith.constant 0 : index
    %get3A_9 = vector.load %arg4[%get3A_7, %get3A_8] : memref<1x32xf32, #tpu.memory_space<vmem>>, vector<1x32xf32>
    %add3A = vector.broadcast %get3A_9 : vector<1x32xf32> to vector<2048x32xf32>
    %add3A_10 = arith.addf %dot_general3A_6, %add3A : vector<2048x32xf32>
    %get3A_11 = arith.constant 0 : index
    %get3A_12 = arith.constant 0 : index
    %get3A_13 = vector.load %arg2[%get3A_11, %get3A_12] : memref<2x32xf32, #tpu.memory_space<vmem>>, vector<1x32xf32>
    %get3A_14 = arith.constant 1 : index
    %get3A_15 = arith.constant 0 : index
    %get3A_16 = vector.load %arg2[%get3A_14, %get3A_15] : memref<2x32xf32, #tpu.memory_space<vmem>>, vector<1x32xf32>
    %sub3A = vector.broadcast %get3A_13 : vector<1x32xf32> to vector<2048x32xf32>
    %sub3A_17 = arith.subf %add3A_10, %sub3A : vector<2048x32xf32>
    %add3A_18 = arith.constant 9.99999974E-6 : f32
    %add3A_19 = vector.broadcast %add3A_18 : f32 to vector<1x32xf32>
    %add3A_20 = arith.addf %get3A_16, %add3A_19 : vector<1x32xf32>
    %sqrt3A = math.sqrt %add3A_20 : vector<1x32xf32>
    %div3A = vector.broadcast %sqrt3A : vector<1x32xf32> to vector<2048x32xf32>
    %div3A_21 = arith.divf %sub3A_17, %div3A : vector<2048x32xf32>
    %get3A_22 = arith.constant 0 : index
    %get3A_23 = arith.constant 0 : index
    %get3A_24 = vector.load %arg5[%get3A_22, %get3A_23] : memref<1x32xf32, #tpu.memory_space<vmem>>, vector<1x32xf32>
    %mul3A = vector.broadcast %get3A_24 : vector<1x32xf32> to vector<2048x32xf32>
    %mul3A_25 = arith.mulf %div3A_21, %mul3A : vector<2048x32xf32>
    %get3A_26 = arith.constant 0 : index
    %get3A_27 = arith.constant 0 : index
    %get3A_28 = vector.load %arg6[%get3A_26, %get3A_27] : memref<1x32xf32, #tpu.memory_space<vmem>>, vector<1x32xf32>
    %add3A_29 = vector.broadcast %get3A_28 : vector<1x32xf32> to vector<2048x32xf32>
    %add3A_30 = arith.addf %mul3A_25, %add3A_29 : vector<2048x32xf32>
    %get3A_31 = arith.constant 0 : index
    %get3A_32 = arith.constant 0 : index
    %get3A_33 = vector.load %arg7[%get3A_31, %get3A_32] : memref<1x1xf32, #tpu.memory_space<vmem>>, vector<1x1xf32>
    %get3A_34 = vector.extract %get3A_33[0, 0] : f32 from vector<1x1xf32>
    %gt3A = arith.constant 0.000000e+00 : f32
    %gt3A_35 = vector.broadcast %gt3A : f32 to vector<2048x32xf32>
    %gt3A_36 = arith.cmpf ogt, %add3A_30, %gt3A_35 : vector<2048x32xf32>
    %mul3A_37 = vector.broadcast %get3A_34 : f32 to vector<2048x32xf32>
    %mul3A_38 = arith.mulf %mul3A_37, %add3A_30 : vector<2048x32xf32>
    %select_n3A = arith.select %gt3A_36, %add3A_30, %mul3A_38 : vector<2048x32xi1>, vector<2048x32xf32>
    %get3A_39 = arith.constant 0 : index
    %get3A_40 = arith.constant 0 : index
    %get3A_41 = vector.load %arg8[%get3A_39, %get3A_40] : memref<32x32xf32, #tpu.memory_space<vmem>>, vector<32x32xf32>
    %convert_element_type3A_42 = arith.truncf %select_n3A : vector<2048x32xf32> to vector<2048x32xbf16>
    %convert_element_type3A_43 = arith.truncf %get3A_41 : vector<32x32xf32> to vector<32x32xbf16>
    %dot_general3A_44 = arith.constant dense<0.000000e+00> : vector<2048x32xf32>
    %dot_general3A_45 = tpu.matmul %convert_element_type3A_42, %convert_element_type3A_43, %dot_general3A_44 {dimension_numbers = #tpu.dot_dimension_numbers<[1], [0], [0], [1], [0, 0, 1, 1], [], []>, transpose_lhs_hint = false} : vector<2048x32xbf16>, vector<32x32xbf16>, vector<2048x32xf32> -> vector<2048x32xf32>
    %get3A_46 = arith.constant 0 : index
    %get3A_47 = arith.constant 0 : index
    %get3A_48 = vector.load %arg9[%get3A_46, %get3A_47] : memref<1x32xf32, #tpu.memory_space<vmem>>, vector<1x32xf32>
    %add3A_49 = vector.broadcast %get3A_48 : vector<1x32xf32> to vector<2048x32xf32>
    %add3A_50 = arith.addf %dot_general3A_45, %add3A_49 : vector<2048x32xf32>
    %get3A_51 = arith.constant 0 : index
    %get3A_52 = arith.constant 0 : index
    %get3A_53 = vector.load %arg10[%get3A_51, %get3A_52] : memref<32x1xf32, #tpu.memory_space<vmem>>, vector<32x1xf32>
    %convert_element_type3A_54 = arith.truncf %add3A_50 : vector<2048x32xf32> to vector<2048x32xbf16>
    %convert_element_type3A_55 = arith.truncf %get3A_53 : vector<32x1xf32> to vector<32x1xbf16>
    %dot_general3A_56 = arith.constant dense<0.000000e+00> : vector<2048x1xf32>
    %dot_general3A_57 = tpu.matmul %convert_element_type3A_54, %convert_element_type3A_55, %dot_general3A_56 {dimension_numbers = #tpu.dot_dimension_numbers<[1], [0], [0], [1], [0, 0, 1, 1], [], []>, transpose_lhs_hint = false} : vector<2048x32xbf16>, vector<32x1xbf16>, vector<2048x1xf32> -> vector<2048x1xf32>
    %get3A_58 = arith.constant 0 : index
    %get3A_59 = arith.constant 0 : index
    %get3A_60 = vector.load %arg11[%get3A_58, %get3A_59] : memref<1x1xf32, #tpu.memory_space<vmem>>, vector<1x1xf32>
    %get3A_61 = vector.extract %get3A_60[0, 0] : f32 from vector<1x1xf32>
    %add3A_62 = vector.broadcast %get3A_61 : f32 to vector<2048x1xf32>
    %add3A_63 = arith.addf %dot_general3A_57, %add3A_62 : vector<2048x1xf32>
    %get3A_64 = arith.constant 0 : index
    %get3A_65 = arith.constant 0 : index
    %get3A_66 = vector.load %arg12[%get3A_64, %get3A_65] : memref<32x32xf32, #tpu.memory_space<vmem>>, vector<32x32xf32>
    %convert_element_type3A_67 = arith.truncf %add3A_50 : vector<2048x32xf32> to vector<2048x32xbf16>
    %convert_element_type3A_68 = arith.truncf %get3A_66 : vector<32x32xf32> to vector<32x32xbf16>
    %dot_general3A_69 = arith.constant dense<0.000000e+00> : vector<2048x32xf32>
    %dot_general3A_70 = tpu.matmul %convert_element_type3A_67, %convert_element_type3A_68, %dot_general3A_69 {dimension_numbers = #tpu.dot_dimension_numbers<[1], [0], [0], [1], [0, 0, 1, 1], [], []>, transpose_lhs_hint = false} : vector<2048x32xbf16>, vector<32x32xbf16>, vector<2048x32xf32> -> vector<2048x32xf32>
    %get3A_71 = arith.constant 0 : index
    %get3A_72 = arith.constant 0 : index
    %get3A_73 = vector.load %arg13[%get3A_71, %get3A_72] : memref<1x32xf32, #tpu.memory_space<vmem>>, vector<1x32xf32>
    %add3A_74 = vector.broadcast %get3A_73 : vector<1x32xf32> to vector<2048x32xf32>
    %add3A_75 = arith.addf %dot_general3A_70, %add3A_74 : vector<2048x32xf32>
    %get3A_76 = arith.constant 0 : index
    %get3A_77 = arith.constant 0 : index
    %get3A_78 = vector.load %arg14[%get3A_76, %get3A_77] : memref<32x1xf32, #tpu.memory_space<vmem>>, vector<32x1xf32>
    %convert_element_type3A_79 = arith.truncf %add3A_75 : vector<2048x32xf32> to vector<2048x32xbf16>
    %convert_element_type3A_80 = arith.truncf %get3A_78 : vector<32x1xf32> to vector<32x1xbf16>
    %dot_general3A_81 = arith.constant dense<0.000000e+00> : vector<2048x1xf32>
    %dot_general3A_82 = tpu.matmul %convert_element_type3A_79, %convert_element_type3A_80, %dot_general3A_81 {dimension_numbers = #tpu.dot_dimension_numbers<[1], [0], [0], [1], [0, 0, 1, 1], [], []>, transpose_lhs_hint = false} : vector<2048x32xbf16>, vector<32x1xbf16>, vector<2048x1xf32> -> vector<2048x1xf32>
    %mul3A_83 = arith.mulf %add3A_50, %add3A_50 : vector<2048x32xf32>
    %reduce_sum3A = arith.constant dense<0.000000e+00> : vector<2048xf32>
    %reduce_sum3A_84 = vector.multi_reduction <add>, %mul3A_83, %reduce_sum3A [1] : vector<2048x32xf32> to vector<2048xf32>
    %broadcast_in_dim3A = vector.shape_cast %reduce_sum3A_84 : vector<2048xf32> to vector<2048x1xf32>
    %sqrt3A_85 = math.sqrt %broadcast_in_dim3A : vector<2048x1xf32>
    %gt3A_86 = arith.constant 0.000000e+00 : f32
    %gt3A_87 = vector.broadcast %gt3A_86 : f32 to vector<2048x1xf32>
    %gt3A_88 = arith.cmpf ogt, %sqrt3A_85, %gt3A_87 : vector<2048x1xf32>
    %div3A_89 = arith.constant 1.000000e+00 : f32
    %div3A_90 = vector.broadcast %div3A_89 : f32 to vector<2048x1xf32>
    %div3A_91 = arith.divf %div3A_90, %sqrt3A_85 : vector<2048x1xf32>
    %jit3A = arith.constant 0.000000e+00 : f32
    %broadcast_in_dim3A_92 = vector.broadcast %jit3A : f32 to vector<2048x1xf32>
    %select_n3A_93 = arith.select %gt3A_88, %div3A_91, %broadcast_in_dim3A_92 : vector<2048x1xi1>, vector<2048x1xf32>
    %mul3A_94 = vector.broadcast %select_n3A_93 : vector<2048x1xf32> to vector<2048x32xf32>
    %mul3A_95 = arith.mulf %add3A_50, %mul3A_94 : vector<2048x32xf32>
    %iota3A = tpu.iota {dimensions = array<i32: 0>} : vector<2048x1xi32>
    %mul3A_96 = arith.constant 2048 : i32
    %mul3A_97 = arith.muli %arg0, %mul3A_96 : i32
    %add3A_98 = vector.broadcast %mul3A_97 : i32 to vector<2048x1xi32>
    %add3A_99 = arith.addi %iota3A, %add3A_98 : vector<2048x1xi32>
    %lt3A = arith.constant 50000 : i32
    %lt3A_100 = vector.broadcast %lt3A : i32 to vector<2048x1xi32>
    %lt3A_101 = arith.cmpi slt, %add3A_99, %lt3A_100 : vector<2048x1xi32>
    %mul3A_102 = vector.broadcast %dot_general3A_82 : vector<2048x1xf32> to vector<2048x32xf32>
    %mul3A_103 = arith.mulf %mul3A_95, %mul3A_102 : vector<2048x32xf32>
    %jit3A_104 = arith.constant 0.000000e+00 : f32
    %broadcast_in_dim3A_105 = vector.shape_cast %lt3A_101 : vector<2048x1xi1> to vector<2048x1xi1>
    %broadcast_in_dim3A_106 = vector.broadcast %broadcast_in_dim3A_105 : vector<2048x1xi1> to vector<2048x32xi1>
    %broadcast_in_dim3A_107 = vector.broadcast %jit3A_104 : f32 to vector<2048x32xf32>
    %select_n3A_108 = arith.select %broadcast_in_dim3A_106, %mul3A_103, %broadcast_in_dim3A_107 : vector<2048x32xi1>, vector<2048x32xf32>
    %swap3A = arith.constant 0 : index
    %swap3A_109 = arith.constant 0 : index
    %swap3A_110 = vector.load %arg15[%swap3A, %swap3A_109] : memref<2048x32xf32, #tpu.memory_space<vmem>>, vector<2048x32xf32>
    tpu.vector_store %arg15[%swap3A, %swap3A_109], %select_n3A_108 {strides = array<i32>} : memref<2048x32xf32, #tpu.memory_space<vmem>>, vector<2048x32xf32>,
    %swap3A_111 = arith.constant 0 : index
    %swap3A_112 = arith.constant 0 : index
    %swap3A_113 = vector.load %arg16[%swap3A_111, %swap3A_112] : memref<2048x32xf32, #tpu.memory_space<vmem>>, vector<2048x32xf32>
    tpu.vector_store %arg16[%swap3A_111, %swap3A_112], %mul3A_95 {strides = array<i32>} : memref<2048x32xf32, #tpu.memory_space<vmem>>, vector<2048x32xf32>,
    %swap3A_114 = arith.constant 0 : index
    %swap3A_115 = arith.constant 0 : index
    %swap3A_116 = vector.load %arg17[%swap3A_114, %swap3A_115] : memref<2048x1xf32, #tpu.memory_space<vmem>>, vector<2048x1xf32>
    tpu.vector_store %arg17[%swap3A_114, %swap3A_115], %add3A_63 {strides = array<i32>} : memref<2048x1xf32, #tpu.memory_space<vmem>>, vector<2048x1xf32>,
    return
  }
  func.func @transform_0(%arg0: i32) -> (i32, i32) {
    %c0_i32 = arith.constant 0 : i32
    %c0_i32_0 = arith.constant 0 : i32
    return %c0_i32, %arg0 : i32, i32
  }
  func.func @transform_1(%arg0: i32) -> (i32, i32) {
    %c0_i32 = arith.constant 0 : i32
    %c0_i32_0 = arith.constant 0 : i32
    %c0_i32_1 = arith.constant 0 : i32
    return %c0_i32, %c0_i32_0 : i32, i32
  }
  func.func @transform_2(%arg0: i32) -> (i32, i32) {
    %c0_i32 = arith.constant 0 : i32
    %c0_i32_0 = arith.constant 0 : i32
    %c0_i32_1 = arith.constant 0 : i32
    return %c0_i32, %c0_i32_0 : i32, i32
  }
  func.func @transform_3(%arg0: i32) -> (i32, i32) {
    %c0_i32 = arith.constant 0 : i32
    %c0_i32_0 = arith.constant 0 : i32
    %c0_i32_1 = arith.constant 0 : i32
    return %c0_i32, %c0_i32_0 : i32, i32
  }
  func.func @transform_4(%arg0: i32) -> (i32, i32) {
    %c0_i32 = arith.constant 0 : i32
    %c0_i32_0 = arith.constant 0 : i32
    %c0_i32_1 = arith.constant 0 : i32
    return %c0_i32, %c0_i32_0 : i32, i32
  }
  func.func @transform_5(%arg0: i32) -> (i32, i32) {
    %c0_i32 = arith.constant 0 : i32
    %c0_i32_0 = arith.constant 0 : i32
    %c0_i32_1 = arith.constant 0 : i32
    return %c0_i32, %c0_i32_0 : i32, i32
  }
  func.func @transform_6(%arg0: i32) -> (i32, i32) {
    %c0_i32 = arith.constant 0 : i32
    %c0_i32_0 = arith.constant 0 : i32
    %c0_i32_1 = arith.constant 0 : i32
    return %c0_i32, %c0_i32_0 : i32, i32
  }
  func.func @transform_7(%arg0: i32) -> (i32, i32) {
    %c0_i32 = arith.constant 0 : i32
    %c0_i32_0 = arith.constant 0 : i32
    %c0_i32_1 = arith.constant 0 : i32
    return %c0_i32, %c0_i32_0 : i32, i32
  }
  func.func @transform_8(%arg0: i32) -> (i32, i32) {
    %c0_i32 = arith.constant 0 : i32
    %c0_i32_0 = arith.constant 0 : i32
    %c0_i32_1 = arith.constant 0 : i32
    return %c0_i32, %c0_i32_0 : i32, i32
  }
  func.func @transform_9(%arg0: i32) -> (i32, i32) {
    %c0_i32 = arith.constant 0 : i32
    %c0_i32_0 = arith.constant 0 : i32
    %c0_i32_1 = arith.constant 0 : i32
    return %c0_i32, %c0_i32_0 : i32, i32
  }
  func.func @transform_10(%arg0: i32) -> (i32, i32) {
    %c0_i32 = arith.constant 0 : i32
    %c0_i32_0 = arith.constant 0 : i32
    %c0_i32_1 = arith.constant 0 : i32
    return %c0_i32, %c0_i32_0 : i32, i32
  }
  func.func @transform_11(%arg0: i32) -> (i32, i32) {
    %c0_i32 = arith.constant 0 : i32
    %c0_i32_0 = arith.constant 0 : i32
    %c0_i32_1 = arith.constant 0 : i32
    return %c0_i32, %c0_i32_0 : i32, i32
  }
  func.func @transform_12(%arg0: i32) -> (i32, i32) {
    %c0_i32 = arith.constant 0 : i32
    %c0_i32_0 = arith.constant 0 : i32
    %c0_i32_1 = arith.constant 0 : i32
    return %c0_i32, %c0_i32_0 : i32, i32
  }
  func.func @transform_13(%arg0: i32) -> (i32, i32) {
    %c0_i32 = arith.constant 0 : i32
    %c0_i32_0 = arith.constant 0 : i32
    %c0_i32_1 = arith.constant 0 : i32
    return %c0_i32, %c0_i32_0 : i32, i32
  }
  func.func @transform_14(%arg0: i32) -> (i32, i32) {
    %c0_i32 = arith.constant 0 : i32
    %c0_i32_0 = arith.constant 0 : i32
    return %arg0, %c0_i32 : i32, i32
  }
  func.func @transform_15(%arg0: i32) -> (i32, i32) {
    %c0_i32 = arith.constant 0 : i32
    %c0_i32_0 = arith.constant 0 : i32
    return %arg0, %c0_i32 : i32, i32
  }
  func.func @transform_16(%arg0: i32) -> (i32, i32) {
    %c0_i32 = arith.constant 0 : i32
    %c0_i32_0 = arith.constant 0 : i32
    return %arg0, %c0_i32 : i32, i32
  }
}

module attributes {stable_mosaic.version = 14 : i64} {
  func.func @_comb_body(%arg0: i32, %arg1: memref<2048x32xf32, #tpu.memory_space<vmem>>, %arg2: memref<2048x32xf32, #tpu.memory_space<vmem>>, %arg3: memref<2048x32xf32, #tpu.memory_space<vmem>>, %arg4: memref<2048x1xf32, #tpu.memory_space<vmem>>, %arg5: memref<1x1xf32, #tpu.memory_space<vmem>>, %arg6: memref<16x128xf32, #tpu.memory_space<vmem>>) attributes {dimension_semantics = [#tpu.dimension_semantics<arbitrary>], iteration_bounds = array<i64: 25>, scalar_prefetch = 0 : i64, scratch_operands = 0 : i64, tpu.core_type = #tpu.core_type<tc>, window_params = [{transform_indices = @transform_0, window_bounds = array<i64: 2048, 32>}, {transform_indices = @transform_1, window_bounds = array<i64: 2048, 32>}, {transform_indices = @transform_2, window_bounds = array<i64: 2048, 32>}, {transform_indices = @transform_3, window_bounds = array<i64: 2048, 1>}, {pipeline_mode = #tpu.pipeline_mode<synchronous>, transform_indices = @transform_4, window_bounds = array<i64: 1, 1>}, {transform_indices = @transform_5, window_bounds = array<i64: 16, 128>}]} {
    %get3A = arith.constant 0 : index
    %get3A_0 = arith.constant 0 : index
    %get3A_1 = vector.load %arg2[%get3A, %get3A_0] : memref<2048x32xf32, #tpu.memory_space<vmem>>, vector<2048x32xf32>
    %get3A_2 = arith.constant 0 : index
    %get3A_3 = arith.constant 0 : index
    %get3A_4 = vector.load %arg3[%get3A_2, %get3A_3] : memref<2048x32xf32, #tpu.memory_space<vmem>>, vector<2048x32xf32>
    %add3A = arith.addf %get3A_1, %get3A_4 : vector<2048x32xf32>
    %get3A_5 = arith.constant 0 : index
    %get3A_6 = arith.constant 0 : index
    %get3A_7 = vector.load %arg1[%get3A_5, %get3A_6] : memref<2048x32xf32, #tpu.memory_space<vmem>>, vector<2048x32xf32>
    %mul3A = arith.mulf %get3A_7, %add3A : vector<2048x32xf32>
    %reduce_sum3A = arith.constant dense<0.000000e+00> : vector<2048xf32>
    %reduce_sum3A_8 = vector.multi_reduction <add>, %mul3A, %reduce_sum3A [1] : vector<2048x32xf32> to vector<2048xf32>
    %broadcast_in_dim3A = vector.shape_cast %reduce_sum3A_8 : vector<2048xf32> to vector<2048x1xf32>
    %get3A_9 = arith.constant 0 : index
    %get3A_10 = arith.constant 0 : index
    %get3A_11 = vector.load %arg4[%get3A_9, %get3A_10] : memref<2048x1xf32, #tpu.memory_space<vmem>>, vector<2048x1xf32>
    %add3A_12 = arith.addf %get3A_11, %broadcast_in_dim3A : vector<2048x1xf32>
    %get3A_13 = arith.constant 0 : index
    %get3A_14 = arith.constant 0 : index
    %get3A_15 = vector.load %arg5[%get3A_13, %get3A_14] : memref<1x1xf32, #tpu.memory_space<vmem>>, vector<1x1xf32>
    %get3A_16 = vector.extract %get3A_15[0, 0] : f32 from vector<1x1xf32>
    %add3A_17 = vector.broadcast %get3A_16 : f32 to vector<2048x1xf32>
    %add3A_18 = arith.addf %add3A_12, %add3A_17 : vector<2048x1xf32>
    %reshape3A = vector.shape_cast %add3A_18 : vector<2048x1xf32> to vector<16x128xf32>
    %swap3A = arith.constant 0 : index
    %swap3A_19 = arith.constant 0 : index
    %swap3A_20 = vector.load %arg6[%swap3A, %swap3A_19] : memref<16x128xf32, #tpu.memory_space<vmem>>, vector<16x128xf32>
    tpu.vector_store %arg6[%swap3A, %swap3A_19], %reshape3A {strides = array<i32>} : memref<16x128xf32, #tpu.memory_space<vmem>>, vector<16x128xf32>,
    return
  }
  func.func @transform_0(%arg0: i32) -> (i32, i32) {
    %c0_i32 = arith.constant 0 : i32
    %c0_i32_0 = arith.constant 0 : i32
    return %arg0, %c0_i32 : i32, i32
  }
  func.func @transform_1(%arg0: i32) -> (i32, i32) {
    %c0_i32 = arith.constant 0 : i32
    %c0_i32_0 = arith.constant 0 : i32
    return %arg0, %c0_i32 : i32, i32
  }
  func.func @transform_2(%arg0: i32) -> (i32, i32) {
    %c0_i32 = arith.constant 0 : i32
    %c0_i32_0 = arith.constant 0 : i32
    return %arg0, %c0_i32 : i32, i32
  }
  func.func @transform_3(%arg0: i32) -> (i32, i32) {
    %c0_i32 = arith.constant 0 : i32
    %c0_i32_0 = arith.constant 0 : i32
    return %arg0, %c0_i32 : i32, i32
  }
  func.func @transform_4(%arg0: i32) -> (i32, i32) {
    %c0_i32 = arith.constant 0 : i32
    %c0_i32_0 = arith.constant 0 : i32
    %c0_i32_1 = arith.constant 0 : i32
    return %c0_i32, %c0_i32_0 : i32, i32
  }
  func.func @transform_5(%arg0: i32) -> (i32, i32) {
    %c0_i32 = arith.constant 0 : i32
    %c0_i32_0 = arith.constant 0 : i32
    return %arg0, %c0_i32 : i32, i32
  }
}

</mosaic_0001>

<sc_bundles>
// kernel: kernel.6.cloned.1.call-start
scs
__scs_entry_jumppad:
0x0: {  	(pc) =	sbr.rel $0x88, $3  }
0x1: {  	(tag) =	ssettag $0x0;
	lr =	simm.s32 $0x1  }
0x2: {  	[smem:$0x3F92] =	sst lr;
	_ =	strace $0xD0000000  }
0x3: {  	_ = 	snop  }
0x4: {  	_ = 	snop  }
0x5: {  	_ = 	snop  }
0x6: {  	_ = 	snop  }
0x7: {  	_ = 	snop  }
__scs_overlays_trampoline_lowered:
0x8: {  	[smem:$0x3FA1] =	sst s0  }
0x9: {  	[smem:$0x3FA2] =	sst s1  }
0xa: {  	[smem:$0x3FA3] =	sst s2  }
0xb: {  	[smem:$0x3FA4] =	sst s3  }
0xc: {  	[smem:$0x3FA5] =	sst s4  }
0xd: {  	[smem:$0x3FA6] =	sst s5  }
0xe: {  	[smem:$0x3FA7] =	sst s6  }
0xf: {  	[smem:$0x3FA8] =	sst s7  }
0x10: {  	[smem:$0x3FA9] =	sst s8  }
0x11: {  	[smem:$0x3FAA] =	sst s9;
	s0 =	simm.s32 @!p0 $0x0  }
0x12: {  	s1 =	sld [smem:$0x3F90];
	s0 =	simm.s32 @p0 $0x1  }
0x13: {  	[smem:$0x3FAB] =	sst s0;
	s0 =	simm.s32 @!p1 $0x0  }
0x14: {  	s2 =	sld [smem:$0x3F8F];
	s0 =	simm.s32 @p1 $0x1  }
0x15: {  	[smem:$0x3FAC] =	sst s0;
	s0 =	simm.s32 @!p2 $0x0  }
0x16: {  	s3 =	sld [smem:$0x3FDB];
	s0 =	simm.s32 @p2 $0x1  }
0x17: {  	s4 =	simm.s32 $0x1BF5;
	[smem:$0x3FAE] =	sst s0  }
0x18: {  	s0 =	sld [smem:$0x3F91];
	_ =	swait.ge [sflag:s4], $0x0  }
0x19: {  	s7 =	sld [smem:$0x3F92]  }
0x1a: {  	s8 =	sadd.s32 $0xFFFFE003, lr  }
0x1b: {  	s9 =	sadd.s32 $0xFFFFFEF7, lr;
	s5 =	simm.s32 $0xFFFFFFFF;
	p2 =	slt.u32 s8, $0xFFFFF086  }
0x1c: {  	p1 =	slt.u32 s9, $0xF7A;
	s5 =	simm.s32 @!p2 $0x0  }
0x1d: {  	s5 =	simm.s32 @p1 $0x1;
	p0 =	seq.s32 s7, s2  }
0x1e: {  	s7 =	smul.u32 @!p0 $0xF7A, s2;
	p2 =	seq.s32 @!p0 s5, $0x0  }
0x1f: {  	s9 =	smul.u32 $0xF7A, s1;
	s8 =	simm.s32 @!p0 $0x1BF5;
	p2 =	por !p2, p0  }
0x20: {  	[sflag:s8] =	ssyncset.s32 @!p0 $0xFFFFF086;
	s6 =	sadd.s32 @!p0 s3, s7;
	s7 =	simm.s32 @!p0 $0x108  }
0x21: {  	s3 =	sadd.s32 s3, s9;
	s6 =	sadd.s32 @!p0 $0x88, s6;
	s7 =	simm.s32 @p2 $0x1082  }
0x22: {  	[simem:s7], [sflag:s8] =	dma.local @!p0 [hbm:s6], $0xF7A  }
0x23: {  	s9 =	sor.u32 $0xD0000000, s2;
	s6 =	simm.s32 $0x108;
	_ =	swait.ge @!p0 [sflag:s8], $0x0  }
0x24: {  	s3 =	sadd.s32 $0x88, s3;
	s6 =	simm.s32 @!p1 $0x1082;
	[sflag:s4] =	ssyncset.s32 $0xFFFFF086  }
0x25: {  	[simem:s6], [sflag:s4] =	dma.local [hbm:s3], $0xF7A  }
0x26: {  	[smem:$0x3F92] =	sst s1;
	(tag) =	ssettag s2;
	_ =	strace s9  }
0x27: {  	s1 =	sld [smem:$0x3FA2]  }
0x28: {  	s2 =	sld [smem:$0x3FA3]  }
0x29: {  	s4 =	sld [smem:$0x3FA5]  }
0x2a: {  	p0 =	seq.s32 s5, $0x0;
	s5 =	sld [smem:$0x3FA6]  }
0x2b: {  	s6 =	sld [smem:$0x3FA7]  }
0x2c: {  	s7 =	sld [smem:$0x3FA8]  }
0x2d: {  	s3 =	simm.s32 $0x108;
	s8 =	sld [smem:$0x3FA9]  }
0x2e: {  	s3 =	simm.s32 @!p0 $0x1082;
	s9 =	sld [smem:$0x3FAA]  }
0x2f: {  	lr =	sadd.s32 s0, s3;
	s0 =	sld [smem:$0x3FA1]  }
0x30: {  	s3 =	sld [smem:$0x3FA4]  }
0x31: {  	[smem:$0x3FAD] =	sst s10  }
0x32: {  	s10 =	sld [smem:$0x3FAB];
	_ =	sdelay $0x3  }
0x33: {  	p0 =	seq.s32 s10, $0x1;
	s10 =	sld [smem:$0x3FAD];
	_ =	sdelay $0x3  }
0x34: {  	[smem:$0x3FAD] =	sst s10  }
0x35: {  	s10 =	sld [smem:$0x3FAC];
	_ =	sdelay $0x3  }
0x36: {  	p1 =	seq.s32 s10, $0x1;
	s10 =	sld [smem:$0x3FAD];
	_ =	sdelay $0x3  }
0x37: {  	[smem:$0x3FAD] =	sst s10  }
0x38: {  	s10 =	sld [smem:$0x3FAE]  }
0x39: {  	_ = 	snop;
	(pc) =	sbr.ind lr, $3  }
0x3a: {  	_ = 	snop  }
0x3b: {  	_ = 	snop  }
0x3c: {  	p2 =	seq.s32 s10, $0x1;
	s10 =	sld [smem:$0x3FAD]  }
0x3d: {  	_ =	shalt  }
0x3e: {  	_ =	shalt  }
0x3f: {  	_ =	shalt  }
0x40: {  	_ =	shalt  }
0x41: {  	_ =	shalt  }
0x42: {  	_ =	shalt  }
0x43: {  	_ =	shalt  }
0x44: {  	_ =	shalt  }
0x45: {  	_ =	shalt  }
0x46: {  	_ =	shalt  }
0x47: {  	_ =	shalt  }
0x48: {  	_ =	shalt  }
0x49: {  	_ =	shalt  }
0x4a: {  	_ =	shalt  }
0x4b: {  	_ =	shalt  }
0x4c: {  	_ =	shalt  }
0x4d: {  	_ =	shalt  }
0x4e: {  	_ =	shalt  }
0x4f: {  	_ =	shalt  }
0x50: {  	_ =	shalt  }
0x51: {  	_ =	shalt  }
0x52: {  	_ =	shalt  }
0x53: {  	_ =	shalt  }
0x54: {  	_ =	shalt  }
0x55: {  	_ =	shalt  }
0x56: {  	_ =	shalt  }
0x57: {  	_ =	shalt  }
0x58: {  	_ =	shalt  }
0x59: {  	_ =	shalt  }
0x5a: {  	_ =	shalt  }
0x5b: {  	_ =	shalt  }
0x5c: {  	_ =	shalt  }
0x5d: {  	_ =	shalt  }
0x5e: {  	_ =	shalt  }
0x5f: {  	_ =	shalt  }
0x60: {  	_ =	shalt  }
0x61: {  	_ =	shalt  }
0x62: {  	_ =	shalt  }
0x63: {  	_ =	shalt  }
0x64: {  	_ =	shalt  }
0x65: {  	_ =	shalt  }
0x66: {  	_ =	shalt  }
0x67: {  	_ =	shalt  }
0x68: {  	_ =	shalt  }
0x69: {  	_ =	shalt  }
0x6a: {  	_ =	shalt  }
0x6b: {  	_ =	shalt  }
0x6c: {  	_ =	shalt  }
0x6d: {  	_ =	shalt  }
0x6e: {  	_ =	shalt  }
0x6f: {  	_ =	shalt  }
0x70: {  	_ =	shalt  }
0x71: {  	_ =	shalt  }
0x72: {  	_ =	shalt  }
0x73: {  	_ =	shalt  }
0x74: {  	_ =	shalt  }
0x75: {  	_ =	shalt  }
0x76: {  	_ =	shalt  }
0x77: {  	_ =	shalt  }
0x78: {  	_ =	shalt  }
0x79: {  	_ =	shalt  }
0x7a: {  	_ =	shalt  }
0x7b: {  	_ =	shalt  }
0x7c: {  	_ =	shalt  }
0x7d: {  	_ =	shalt  }
0x7e: {  	_ =	shalt  }
0x7f: {  	_ =	shalt  }
0x80: {  	_ =	shalt  }
0x81: {  	_ =	shalt  }
0x82: {  	_ =	shalt  }
0x83: {  	_ =	shalt  }
0x84: {  	_ =	shalt  }
0x85: {  	_ =	shalt  }
0x86: {  	_ =	shalt  }
0x87: {  	_ =	shalt  }
.Lfunc_end0:
.L_simem_size_0:
called_computation_lowered:
.L_overlay_start_0:
0x88: {  	s2 =	sld [smem:$0x3FD9]  }
0x89: {  	s3 =	sld [smem:$0x3FFE];
	_ =	sdelay $0x1  }
0x8a: {  	s1 =	srdreg.scid  }
0x8b: {  	s0 =	sand.u32 $0x1, s1  }
0x8c: {  	s16 =	sshll.u32 s0, $0xA;
	s2 =	sadd.s32 s3, s2  }
0x8d: {  	s2 =	sadd.s32 s2, s16  }
0x8e: {  	[smem:$0x3FB9] =	sst s2  }
0x8f: {  	_ = 	snop  }
0x90: {  	(tm) =	ssettm $0x1  }
0x91: {  	s17 =	sld [smem:$0x3FFB];
	_ =	sdelay $0x3  }
0x92: {  	_ =	strace s17  }
0x93: {  	s2 =	sld [smem:$0x3FFC];
	_ =	sdelay $0x3  }
0x94: {  	_ =	strace s2  }
0x95: {  	s2 =	sld [smem:$0x3FFD];
	_ =	sdelay $0x3  }
0x96: {  	_ =	strace s2  }
0x97: {  	_ =	strace $0x8FFFFFFF  }
0x98: {  	s18 =	sld [smem:$0x3FDB];
	_ =	sdelay $0x1  }
0x99: {  	s19 =	simm.s32 $_scs_section_size  }
0x9a: {  	s4 =	simm.s32 $_size__tile_overlayer_lowered;
	s5 =	simm.s32 $_tile_overlayer_lowered  }
0x9b: {  	s22 =	simm.s32 $0x1BFF;
	s21 =	sshll.u32 s5, $0x1;
	s2 =	sadd.s32 s19, s18  }
0x9c: {  	s6 =	simm.s32 $0x0;
	s20 =	sshll.u32 s4, $0x1;
	s4 =	sadd.s32 s21, s2  }
0x9d: {  	[timem:s6], [sflag:s22] =	dma.local [hbm:s4], s20  }
0x9e: {  	_ =	swait.ge [sflag:s22], s20  }
0x9f: {  	s3 =	ssub.s32 $0x0, s20;
	[sflag:s22] =	ssyncset.done $0x0  }
0xa0: {  	[sflag:s22] =	ssyncadd.s32 s3;
	_ =	sdelay $0x1  }
0xa1: {  	s23 =	simm.s32 $0x1B8B  }
0xa2: {  	_ =	swait.ge [sflag:s23], $0x1  }
0xa3: {  	[sflag:s23] =	ssyncset.done $0x0  }
0xa4: {  	s25 =	simm.s32 $0x1B8E;
	s24 =	sld [smem:$0x3FFE];
	[sflag:s23] =	ssyncadd.s32 $0xFFFFFFFF  }
0xa5: {  	s26 =	simm.s32 $execute0_lowered;
	[smem:$0x3FD2] =	sst s25  }
0xa6: {  	s4 =	sshll.u32 s26, $0x1;
	_ =	strace $0x80000046;
	[dreg:$0x1] =	wrdreg $0xFFFFFFFF  }
0xa7: {  	s28 =	simm.s32 $_size_execute0_lowered;
	s2 =	sadd.s32 s2, s4;
	[dreg:$0x0] =	wrdreg $0x0  }
0xa8: {  	s4 =	sshll.u32 s28, $0x1;
	[dreg:$0x2] =	wrdreg s2  }
0xa9: {  	[dreg:$0x3] =	wrdreg s4  }
0xaa: {  	[dreg:$0x4] =	wrdreg $0xC0  }
0xab: {  	_ =	task [dreg:s6], $0x5FFFF  }
0xac: {  	[dreg:$0x1] =	wrdreg $0xFFFFFFFF  }
0xad: {  	[dreg:$0x0] =	wrdreg $0x60  }
0xae: {  	[dreg:$0x2] =	wrdreg s24  }
0xaf: {  	[dreg:$0x3] =	wrdreg $0x44000  }
0xb0: {  	[dreg:$0x4] =	wrdreg $0x9  }
0xb1: {  	_ =	task.clear_ibuf [dreg:s6], $0x5FFFF;
	_ =	strace $0x90000046  }
0xb2: {  	s29 =	simm.s32 $0x9;
	_ =	strace $0x80000048  }
0xb3: {  	_ =	swait.ge [sflag:s29], $0x1  }
0xb4: {  	[sflag:s29] =	ssyncadd.s32 $0xFFFFFFFF  }
0xb5: {  	_ =	strace $0x90000048  }
0xb6: {  	_ =	sfence  }
0xb7: {  	s30 =	sld [smem:$0x0];
	_ =	sdelay $0x2  }
0xb8: {  	s31 =	sshll.u32 s1, $0xD;
	s1 =	sshrl.u32 s1, $0x2  }
0xb9: {  	s3 =	sand.u32 $0x4000, s31;
	s1 =	sadd.s32 s1, s30  }
0xba: {  	s0 =	sor.u32 s3, s0;
	s1 =	sshll.u32 s1, $0x11  }
0xbb: {  	s0 =	sor.u32 s1, s0  }
0xbc: {  	s0 =	sadd.s32 $0x8F2B, s0  }
0xbd: {  	[sflag:s0] =	ssyncadd.remote.s32 $0x1  }
0xbe: {  	_ =	sfence.sel $0xFFFF  }
0xbf: {  	[dreg:$0x0] =	wrdreg $0xFFFFFFFF;
	(pc) =	sbr.abs _section_cstart, $3  }
0xc0: {  	[dreg:$0x1] =	wrdreg $0xFFFFFFFF  }
0xc1: {  	_ =	task.clear_ibuf [dreg:s6], $0x2FFFF;
	_ =	strace $0x9FFFFFFF  }
0xc2: {  	(tm) =	ssettm $0x7FFFFFFF  }
0xc3: {  	_ =	shalt  }
tec
execute0_lowered:
.L_overlay_start_1:
0x0: {  	(tag) =	ssettag $0x1  }
0x1: {  	s0 =	rddreg [dreg:$0x0]  }
0x2: {  	s2 =	rddreg [dreg:$0x1];
	s3 =	simm.s32 $0x0  }
0x3: {  	s1 =	stileid.u32;
	s6 =	srdreg.scid;
	s17 =	simm.s32 $0x80  }
0x4: {  	s18 =	simm.s32 $0x400;
	s28 =	simm.s32 $0x3;
	s29 =	simm.s32 $0x280  }
0x5: {  	s30 =	simm.s32 $0x380;
	s31 =	simm.s32 $0x0;
	[smem:$0x7FF] =	sst s3  }
0x6: {  	s5 =	smul.u32 $0x19000, s1;
	s13 =	sadd.s32 $0x2E00, s0;
	s4 =	sadd.s32 $0x25B000, s0  }
0x7: {  	s8 =	sand.u32 $0x1, s6;
	s9 =	sshll.u32 s1, $0x1;
	s22 =	sshll.u32 s1, $0x6  }
0x8: {  	s11 =	smul.u32 $0x31000, s1;
	_ =	strace $0x80000047;
	s7 =	ssub.s32 $0x2, s8  }
0x9: {  	s9 =	sor.u32 s8, s9;
	s6 =	sor.u32 $0x1C04, s22;
	s16 =	smul.u32 $0x18800, s8  }
0xa: {  	p0 =	seq.s32 s8, $0x1;
	s22 =	simm.s32 $0x2;
	s19 =	sshrl.u32 s5, $0x3  }
0xb: {  	s20 =	sshrl.u32 s7, $0x1;
	s14 =	sadd.s32 s5, s2;
	s21 =	smul.u32 $0x3100, s9  }
0xc: {  	s9 =	smul.u32 $0x18800, s9;
	s0 =	sadd.s32 s19, s0;
	s10 =	ssub.s32 s7, s20  }
0xd: {  	s11 =	sadd.s32 s16, s11;
	s14 =	sshrl.u32 s14, $0x3;
	s19 =	simm.s32 $0x100  }
0xe: {  	s20 =	simm.s32 $0x1400;
	s5 =	sadd.s32 $0x64E00, s0;
	s7 =	sadd.s32 s13, s21  }
0xf: {  	s12 =	sor.u32 $0x200, s9;
	s15 =	sor.u32 $0x400, s9;
	s8 =	smax.u32 s10, $0x1  }
0x10: {  	s25 =	sadd.s32 $0x800, s11;
	s16 =	sor.u32 $0x600, s11;
	s21 =	simm.s32 $0x200  }
0x11: {  	s23 =	sshrl.u32 s12, $0x3;
	s24 =	sshrl.u32 s15, $0x3;
	s12 =	simm.s32 $0x96E00  }
.Ltmp0:
0x12: {  	s15 =	sshrl.u32 s25, $0x3;
	s26 =	sshrl.u32 s16, $0x3;
	(pc) =	sbr.rel .LBB2_1-.Ltmp0, $4  }
0x13: {  	s16 =	simm.s32 $0x1;
	s25 =	simm.s32 $0x300;
	s9 =	sadd.s32 s13, s23  }
0x14: {  	s10 =	sadd.s32 s13, s24;
	s12 =	simm.s32 @!p0 $0x28D000;
	s23 =	simm.s32 $0x180  }
0x15: {  	s24 =	simm.s32 $0x2400;
	s11 =	sadd.s32 s12, s0;
	s12 =	sadd.s32 s15, s13  }
0x16: {  	s13 =	sadd.s32 s26, s13;
	s15 =	simm.s32 $0x4;
	s26 =	simm.s32 $0x3400  }
.LBB2_4:
0x17: {  	_ =	swait.ge [sflag:s22], $0x2000  }
0x18: {  	[sflag:s22] =	ssyncset.done $0x0  }
0x19: {  	[sflag:s22] =	ssyncadd.s32 $0xFFFFE000  }
0x1a: {  	[spmem:s2] =	stream.indirect.scatter.add.f32 [tilespmem:s24], [sflag:$0x3], $0x20, s29, s17, $0xb8;
	[tilespmem:$0x1D400] =	vst v63  }
0x1b: {  	_ = 	snop  }
0x1c: {  	[spmem:s2] =	stream.indirect.scatter.add.f32 [tilespmem:s26], [sflag:$0x3], $0x20, s30, s17, $0xb8;
	[tilespmem:$0x1D400] =	vst v63  }
0x1d: {  	_ =	swait.ge [sflag:s28], $0x2000  }
0x1e: {  	s31 =	sadd.s32 $0x1, s31;
	[sflag:s28] =	ssyncset.done $0x0  }
0x1f: {  	p0 =	sne.s32 s31, s8;
	[sflag:s28] =	ssyncadd.s32 $0xFFFFE000  }
.Ltmp1:
0x20: {  	[bflag:$0x0] =	sbarrier.arrive $0xFFFF;
	(pc) =	sbr.rel @!p0 .LBB2_5-.Ltmp1, $4  }
0x21: {  	[hbm:s11], [sflag:s6] =	dma.local [spmem:s14], $0x3200  }
0x22: {  	_ =	swait.ge [sflag:s15], $0x3200  }
0x23: {  	[sflag:s15] =	ssyncset.done $0x0  }
0x24: {  	[sflag:s15] =	ssyncadd.s32 $0xFFFFCE00  }
.LBB2_1:
0x25: {  	[spmem:s14], [sflag:s6] =	dma.local [hbm:s5], $0x3200  }
0x26: {  	_ =	swait.ge [sflag:s15], $0x3200  }
0x27: {  	[sflag:s15] =	ssyncset.done $0x0  }
0x28: {  	[sflag:s15] =	ssyncadd.s32 $0xFFFFCE00  }
0x29: {  	[bflag:$0x0] =	sbarrier.arrive $0xFFFF  }
0x2a: {  	[tilespmem:s3], [sflag:$0x1] =	stream.linear.gather [hbm4b:s7+s3], $0x200, $0x38;
	[tilespmem:$0x1D400] =	vst v63  }
0x2b: {  	_ =	swait.ge [sflag:s16], $0x200  }
0x2c: {  	[sflag:s16] =	ssyncset.done $0x0  }
0x2d: {  	[sflag:s16] =	ssyncadd.s32 $0xFFFFFE00  }
0x2e: {  	[tilespmem:s18], [sflag:$0x2] =	stream.indirect.gather [hbm4b:s4+s17], $0x20, s3, s17, $0xb8;
	[tilespmem:$0x1D400] =	vst v63  }
0x2f: {  	_ = 	snop  }
0x30: {  	[tilespmem:s20], [sflag:$0x2] =	stream.indirect.gather [hbm4b:s4+s17], $0x20, s19, s17, $0xb8;
	[tilespmem:$0x1D400] =	vst v63  }
0x31: {  	_ = 	snop  }
0x32: {  	[tilespmem:s21], [sflag:$0x1] =	stream.linear.gather [hbm4b:s9+s3], $0x200, $0x38;
	[tilespmem:$0x1D400] =	vst v63  }
0x33: {  	_ =	swait.ge [sflag:s22], $0x2000  }
0x34: {  	[sflag:s22] =	ssyncset.done $0x0  }
0x35: {  	[sflag:s22] =	ssyncadd.s32 $0xFFFFE000  }
0x36: {  	[spmem:s2] =	stream.indirect.scatter.add.f32 [tilespmem:s18], [sflag:$0x3], $0x20, s17, s17, $0xb8;
	[tilespmem:$0x1D400] =	vst v63  }
0x37: {  	_ = 	snop  }
0x38: {  	[spmem:s2] =	stream.indirect.scatter.add.f32 [tilespmem:s20], [sflag:$0x3], $0x20, s23, s17, $0xb8;
	[tilespmem:$0x1D400] =	vst v63  }
0x39: {  	_ =	swait.ge [sflag:s16], $0x200  }
0x3a: {  	[sflag:s16] =	ssyncset.done $0x0  }
0x3b: {  	[sflag:s16] =	ssyncadd.s32 $0xFFFFFE00  }
0x3c: {  	[tilespmem:s24], [sflag:$0x2] =	stream.indirect.gather [hbm4b:s4+s17], $0x20, s21, s17, $0xb8;
	[tilespmem:$0x1D400] =	vst v63  }
0x3d: {  	_ = 	snop  }
0x3e: {  	[tilespmem:s26], [sflag:$0x2] =	stream.indirect.gather [hbm4b:s4+s17], $0x20, s25, s17, $0xb8;
	[tilespmem:$0x1D400] =	vst v63  }
0x3f: {  	_ =	swait.ge [sflag:s28], $0x2000  }
0x40: {  	[sflag:s28] =	ssyncset.done $0x0  }
0x41: {  	[sflag:s28] =	ssyncadd.s32 $0xFFFFE000  }
0x42: {  	[tilespmem:s3], [sflag:$0x1] =	stream.linear.gather [hbm4b:s10+s3], $0x200, $0x38;
	[tilespmem:$0x1D400] =	vst v63  }
0x43: {  	_ =	swait.ge [sflag:s22], $0x2000  }
0x44: {  	[sflag:s22] =	ssyncset.done $0x0  }
0x45: {  	[sflag:s22] =	ssyncadd.s32 $0xFFFFE000  }
0x46: {  	[spmem:s2] =	stream.indirect.scatter.add.f32 [tilespmem:s24], [sflag:$0x3], $0x20, s29, s17, $0xb8;
	[tilespmem:$0x1D400] =	vst v63  }
0x47: {  	_ = 	snop  }
0x48: {  	[spmem:s2] =	stream.indirect.scatter.add.f32 [tilespmem:s26], [sflag:$0x3], $0x20, s30, s17, $0xb8;
	[tilespmem:$0x1D400] =	vst v63  }
0x49: {  	_ =	swait.ge [sflag:s16], $0x200  }
0x4a: {  	[sflag:s16] =	ssyncset.done $0x0  }
0x4b: {  	[sflag:s16] =	ssyncadd.s32 $0xFFFFFE00  }
0x4c: {  	[tilespmem:s18], [sflag:$0x2] =	stream.indirect.gather [hbm4b:s4+s17], $0x20, s3, s17, $0xb8;
	[tilespmem:$0x1D400] =	vst v63  }
0x4d: {  	s0 =	simm.s32 $0x0  }
0x4e: {  	[tilespmem:s20], [sflag:$0x2] =	stream.indirect.gather [hbm4b:s4+s17], $0x20, s19, s17, $0xb8;
	[tilespmem:$0x1D400] =	vst v63  }
.LBB2_2:
0x4f: {  	_ =	swait.ge [sflag:s28], $0x2000  }
0x50: {  	[sflag:s28] =	ssyncset.done $0x0  }
0x51: {  	s1 =	sadd.s32 s0, s13;
	[sflag:s28] =	ssyncadd.s32 $0xFFFFE000  }
0x52: {  	[tilespmem:s21], [sflag:$0x1] =	stream.linear.gather [hbm4b:s1+s3], $0x200, $0x38;
	[tilespmem:$0x1D400] =	vst v63  }
0x53: {  	_ =	swait.ge [sflag:s22], $0x2000  }
0x54: {  	[sflag:s22] =	ssyncset.done $0x0  }
0x55: {  	[sflag:s22] =	ssyncadd.s32 $0xFFFFE000  }
0x56: {  	[spmem:s2] =	stream.indirect.scatter.add.f32 [tilespmem:s18], [sflag:$0x3], $0x20, s17, s17, $0xb8;
	[tilespmem:$0x1D400] =	vst v63  }
0x57: {  	_ = 	snop  }
0x58: {  	[spmem:s2] =	stream.indirect.scatter.add.f32 [tilespmem:s20], [sflag:$0x3], $0x20, s23, s17, $0xb8;
	[tilespmem:$0x1D400] =	vst v63  }
0x59: {  	_ =	swait.ge [sflag:s16], $0x200  }
0x5a: {  	[sflag:s16] =	ssyncset.done $0x0  }
0x5b: {  	p0 =	seq.s32 s0, $0x3000;
	[sflag:s16] =	ssyncadd.s32 $0xFFFFFE00  }
0x5c: {  	[tilespmem:s24], [sflag:$0x2] =	stream.indirect.gather [hbm4b:s4+s17], $0x20, s21, s17, $0xb8;
	[tilespmem:$0x1D400] =	vst v63  }
.Ltmp2:
0x5d: {  	_ = 	snop;
	(pc) =	sbr.rel @p0 .LBB2_4-.Ltmp2, $4  }
0x5e: {  	[tilespmem:s26], [sflag:$0x2] =	stream.indirect.gather [hbm4b:s4+s17], $0x20, s25, s17, $0xb8;
	[tilespmem:$0x1D400] =	vst v63  }
0x5f: {  	_ =	swait.ge [sflag:s28], $0x2000  }
0x60: {  	[sflag:s28] =	ssyncset.done $0x0  }
0x61: {  	[sflag:s28] =	ssyncadd.s32 $0xFFFFE000  }
0x62: {  	s1 =	sadd.s32 s0, s12  }
0x63: {  	[tilespmem:s3], [sflag:$0x1] =	stream.linear.gather [hbm4b:s1+s3], $0x200, $0x38;
	[tilespmem:$0x1D400] =	vst v63  }
0x64: {  	_ =	swait.ge [sflag:s22], $0x2000  }
0x65: {  	[sflag:s22] =	ssyncset.done $0x0  }
0x66: {  	[sflag:s22] =	ssyncadd.s32 $0xFFFFE000  }
0x67: {  	[spmem:s2] =	stream.indirect.scatter.add.f32 [tilespmem:s24], [sflag:$0x3], $0x20, s29, s17, $0xb8;
	[tilespmem:$0x1D400] =	vst v63  }
0x68: {  	_ = 	snop  }
0x69: {  	[spmem:s2] =	stream.indirect.scatter.add.f32 [tilespmem:s26], [sflag:$0x3], $0x20, s30, s17, $0xb8;
	[tilespmem:$0x1D400] =	vst v63  }
0x6a: {  	_ =	swait.ge [sflag:s16], $0x200  }
.Ltmp3:
0x6b: {  	[sflag:s16] =	ssyncset.done $0x0;
	(pc) =	sbr.rel .LBB2_2-.Ltmp3, $4  }
0x6c: {  	[sflag:s16] =	ssyncadd.s32 $0xFFFFFE00  }
0x6d: {  	[tilespmem:s18], [sflag:$0x2] =	stream.indirect.gather [hbm4b:s4+s17], $0x20, s3, s17, $0xb8;
	[tilespmem:$0x1D400] =	vst v63  }
0x6e: {  	s0 =	sadd.s32 $0x80, s0  }
0x6f: {  	[tilespmem:s20], [sflag:$0x2] =	stream.indirect.gather [hbm4b:s4+s17], $0x20, s19, s17, $0xb8;
	[tilespmem:$0x1D400] =	vst v63  }
.LBB2_5:
0x70: {  	_ =	sfence.sel $0x180000  }
0x71: {  	[bflag:$0x0] =	sbarrier.arrive $0xFFFF  }
0x72: {  	_ =	strace $0x90000047  }
0x73: {  	s0 =	stileid.u32;
	[bflag:$0x2] =	sbarrier.arrive $0xFFFF  }
0x74: {  	p0 =	sne.s32 s0, $0x0;
	s0 =	rddreg [dreg:$0x2]  }
0x75: {  	s0 =	sadd.s32 @!p0 $0x100000, s0  }
0x76: {  	[sflag:s0] =	ssyncadd.tile.s32 @!p0 $0x1;
	_ =	shalt  }
.Lfunc_end2:
_tile_overlayer_lowered:
.L_overlay_start_2:
0x77: {  	(tag) =	ssettag $0x2  }
0x78: {  	s0 =	rddreg [dreg:$0x0];
	s2 =	stileid.u32  }
0x79: {  	s1 =	rddreg [dreg:$0x1];
	p0 =	sne.s32 s2, $0x0  }
0x7a: {  	s3 =	rddreg [dreg:$0x2];
	[bflag:$0x3] =	sbarrier.arrive $0xFFFF;
	s2 =	simm.s32 @!p0 $0x1C04  }
0x7b: {  	[timem:s3], [sflag:s2] =	dma.local @!p0 [hbm:s0], s1  }
0x7c: {  	s0 =	simm.s32 @!p0 $0x4  }
0x7d: {  	_ =	swait.ge @!p0 [sflag:s0], s1  }
0x7e: {  	s1 =	ssub.s32 @!p0 $0x0, s1;
	[sflag:s0] =	ssyncset.done @!p0 $0x0  }
0x7f: {  	[sflag:s0] =	ssyncadd.s32 @!p0 s1  }
0x80: {  	[bflag:$0x3] =	sbarrier.arrive $0xFFFF  }
0x81: {  	_ =	shalt  }

</sc_bundles>
